<compile_context>
chip_gen: v7x
topology: tpu7x:2x2x1
jax: 0.10.2.dev20260603
libtpu: 0.0.44.dev20260713+nightly
codegen_flags: <defaults>
</compile_context>

<pallas_src>
import jax
import jax.numpy as jnp
from jax.experimental import pallas as pl
from jax.experimental.pallas import tpu as pltpu
from jax.experimental.pallas import tpu_sc as plsc

ALPHA = 1.702
LIMIT = 7.0
FFB = 512
RB = 128


def _router_kernel(x_ref, gw_ref, gb_ref, pck_ref, w1_ref, w2_ref):
    x = x_ref[...]
    T = x.shape[0]
    E = gw_ref.shape[0]
    logits = jax.lax.dot_general(
        x.astype(jnp.bfloat16), gw_ref[...].astype(jnp.bfloat16),
        (((1,), (1,)), ((), ())),
        preferred_element_type=jnp.float32) + gb_ref[...]
    lane = jax.lax.broadcasted_iota(jnp.int32, (T, E), 1)
    m1 = jnp.max(logits, axis=1, keepdims=True)
    a1 = jnp.min(jnp.where(logits == m1, lane, E), axis=1, keepdims=True)
    masked = jnp.where(lane == a1, -jnp.inf, logits)
    m2 = jnp.max(masked, axis=1, keepdims=True)
    a2 = jnp.min(jnp.where(masked == m2, lane, E), axis=1, keepdims=True)
    e2 = jnp.exp(m2 - m1)
    denom = 1.0 + e2
    w1 = 1.0 / denom
    w2 = e2 / denom
    pck_ref[...] = a1 * E + a2
    w1_ref[...] = w1.astype(jnp.float32)
    w2_ref[...] = w2.astype(jnp.float32)


def _router(x, gate_w, gate_b):
    T = x.shape[0]
    E = gate_w.shape[0]
    return pl.pallas_call(
        _router_kernel,
        out_shape=(jax.ShapeDtypeStruct((T, 1), jnp.int32),
                   jax.ShapeDtypeStruct((T, 1), jnp.float32),
                   jax.ShapeDtypeStruct((T, 1), jnp.float32)),
    )(x, gate_w, gate_b.reshape(1, E))


def _dispatch_sc(pck, w1, w2, E):
    T = pck.shape[0]
    epc = E // 2
    mesh = plsc.ScalarSubcoreMesh(axis_name="core", num_cores=2)

    @pl.kernel(
        out_type=(jax.ShapeDtypeStruct((256,), jnp.int32),
                  jax.ShapeDtypeStruct((E * T,), jnp.int32),
                  jax.ShapeDtypeStruct((E * T,), jnp.float32)),
        mesh=mesh,
        scratch_types=[pltpu.SMEM((T,), jnp.int32),
                       pltpu.SMEM((T,), jnp.float32),
                       pltpu.SMEM((T,), jnp.float32),
                       pltpu.SMEM((epc * T,), jnp.int32),
                       pltpu.SMEM((epc * T,), jnp.float32),
                       pltpu.SMEM((128,), jnp.int32),
                       pltpu.SMEM((epc,), jnp.int32),
                       pltpu.SemaphoreType.DMA],
    )
    def dispatch(pck_hbm, w1_hbm, w2_hbm, cnt_hbm, perm_hbm, ws_hbm,
                 pck_s, w1_s, w2_s, perm_s, ws_s, cnt_s, pos_s, sem):
        core = jax.lax.axis_index("core")
        lo = core * epc
        h1 = pltpu.async_copy(pck_hbm, pck_s, sem)
        h2 = pltpu.async_copy(w1_hbm, w1_s, sem)
        h3 = pltpu.async_copy(w2_hbm, w2_s, sem)
        h1.wait()
        h2.wait()
        h3.wait()

        @pl.loop(0, epc)
        def _zpos(j):
            pos_s[j] = 0

        @pl.loop(0, T)
        def _scan(t):
            p = pck_s[t]
            e1 = p // E
            e2 = p - e1 * E
            l1 = e1 - lo
            l2 = e2 - lo

            @pl.when((l1 >= 0) & (l1 < epc))
            def _take1():
                q = pos_s[l1]
                perm_s[l1 * T + q] = t
                ws_s[l1 * T + q] = w1_s[t]
                pos_s[l1] = q + 1

            @pl.when((l2 >= 0) & (l2 < epc))
            def _take2():
                q = pos_s[l2]
                perm_s[l2 * T + q] = t
                ws_s[l2 * T + q] = w2_s[t]
                pos_s[l2] = q + 1

        @pl.loop(0, epc)
        def _finish(j):
            c = pos_s[j]
            cnt_s[j] = c
            tail = ((c + RB - 1) // RB) * RB

            @pl.loop(0, RB)
            def _ztail(i):
                @pl.when(c + i < tail)
                def _z():
                    ws_s[j * T + c + i] = 0.0

        blk = pl.ds(core * (epc * T), epc * T)
        o1 = pltpu.async_copy(perm_s, perm_hbm.at[blk], sem)
        o2 = pltpu.async_copy(ws_s, ws_hbm.at[blk], sem)
        o3 = pltpu.async_copy(cnt_s, cnt_hbm.at[pl.ds(core * 128, 128)], sem)
        o1.wait()
        o2.wait()
        o3.wait()

    cnt256, perm, ws = dispatch(pck.reshape(T), w1.reshape(T), w2.reshape(T))
    return (cnt256.reshape(2, 128)[:, :epc].reshape(E),
            perm.reshape(E, T), ws.reshape(E, T))


def _moe_kernel(cnt_ref, x_ref, perm_ref, ws_ref, wg_ref, bg_ref, wu_ref,
                bu_ref, wd_ref, bd_ref, out_ref, xbf_ref, xg_ref, yacc_ref):
    e = pl.program_id(0)
    f = pl.program_id(1)
    nf = pl.num_programs(1)
    T, H = x_ref.shape
    R = T // RB
    cnt = cnt_ref[e]

    @pl.when((e == 0) & (f == 0))
    def _first():
        xbf_ref[...] = x_ref[...].astype(jnp.bfloat16)
        out_ref[...] = jnp.zeros_like(out_ref)

    for r in range(R):
        @pl.when(cnt > r * RB)
        def _block(r=r):
            rows = pl.ds(r * RB, RB)
            perm_row = perm_ref[0, r, :][None, :]
            iota_t = jax.lax.broadcasted_iota(jnp.int32, (T, RB), 0)
            oh = (iota_t == perm_row).astype(jnp.float32)

            @pl.when(f == 0)
            def _gather():
                xg = jax.lax.dot_general(
                    oh.astype(jnp.bfloat16), xbf_ref[...],
                    (((0,), (0,)), ((), ())),
                    preferred_element_type=jnp.float32)
                xg_ref[rows, :] = xg.astype(jnp.bfloat16)

            xr = xg_ref[rows, :]
            g = jnp.dot(xr, wg_ref[0].astype(jnp.bfloat16),
                        preferred_element_type=jnp.float32) + bg_ref[0, 0]
            u = jnp.dot(xr, wu_ref[0].astype(jnp.bfloat16),
                        preferred_element_type=jnp.float32) + bu_ref[0, 0]
            g = jnp.minimum(g, LIMIT)
            u = jnp.clip(u, -LIMIT, LIMIT)
            glu = g * jax.nn.sigmoid(ALPHA * g)
            gated = (u + 1.0) * glu
            partial = jnp.dot(gated.astype(jnp.bfloat16),
                              wd_ref[0].astype(jnp.bfloat16),
                              preferred_element_type=jnp.float32)

            @pl.when(f == 0)
            def _y0():
                yacc_ref[rows, :] = partial

            @pl.when(f > 0)
            def _yacc():
                yacc_ref[rows, :] += partial

            @pl.when(f == nf - 1)
            def _combine():
                ohw = oh * ws_ref[0, r, :][None, :]
                yout = yacc_ref[rows, :] + bd_ref[0, 0]
                out_ref[...] += jnp.dot(
                    ohw.astype(jnp.bfloat16), yout.astype(jnp.bfloat16),
                    preferred_element_type=jnp.float32)


@jax.jit
def kernel(hidden_states, gate_w, gate_b, Wg, bg, Wu, bu, Wd, bd):
    T, H = hidden_states.shape
    E, _, FF = Wg.shape
    nf = FF // FFB
    R = T // RB
    pck, w1, w2 = _router(hidden_states, gate_w, gate_b)
    cnt, perm, wsort = _dispatch_sc(pck, w1, w2, E)
    grid_spec = pltpu.PrefetchScalarGridSpec(
        num_scalar_prefetch=1,
        grid=(E, nf),
        in_specs=[
            pl.BlockSpec((T, H), lambda e, f, *_: (0, 0)),
            pl.BlockSpec((1, R, RB), lambda e, f, *_: (e, 0, 0)),
            pl.BlockSpec((1, R, RB), lambda e, f, *_: (e, 0, 0)),
            pl.BlockSpec((1, H, FFB), lambda e, f, *_: (e, 0, f)),
            pl.BlockSpec((1, 1, FFB), lambda e, f, *_: (e, 0, f)),
            pl.BlockSpec((1, H, FFB), lambda e, f, *_: (e, 0, f)),
            pl.BlockSpec((1, 1, FFB), lambda e, f, *_: (e, 0, f)),
            pl.BlockSpec((1, FFB, H), lambda e, f, *_: (e, f, 0)),
            pl.BlockSpec((1, 1, H), lambda e, f, *_: (e, 0, 0)),
        ],
        out_specs=pl.BlockSpec((T, H), lambda e, f, *_: (0, 0)),
        scratch_shapes=[
            pltpu.VMEM((T, H), jnp.bfloat16),
            pltpu.VMEM((T, H), jnp.bfloat16),
            pltpu.VMEM((T, H), jnp.float32),
        ],
    )
    return pl.pallas_call(
        _moe_kernel,
        grid_spec=grid_spec,
        out_shape=jax.ShapeDtypeStruct((T, H), jnp.float32),
    )(cnt, hidden_states, perm.reshape(E, R, RB), wsort.reshape(E, R, RB),
      Wg, bg.reshape(E, 1, FF), Wu, bu.reshape(E, 1, FF), Wd,
      bd.reshape(E, 1, H))

# --- scband reference (transcript-rebuilt; emitter-appended) ---
"""Pipeline reference for scband-gpt-oss-mo-elayer-85787676770792 (READ-ONLY COPY).

The authoritative reference and input builder live on the scoring server;
editing this copy changes nothing except your own understanding.
"""

import jax, jax.numpy as jnp
import numpy as np

E = 8
TOP_K = 2
H = 2048
FF = 4096
T = 256
ALPHA = 1.702
LIMIT = 7.0


def setup_inputs(seed: int = 0) -> dict:
    key = jax.random.key(seed)
    ks = jax.random.split(key, 10)
    x = jax.random.normal(ks[0], (T, H), dtype=jnp.float32)
    gate_w = jax.random.normal(ks[1], (E, H), dtype=jnp.float32) * 0.02
    gate_b = jax.random.normal(ks[2], (E,), dtype=jnp.float32) * 0.02
    Wg = jax.random.normal(ks[3], (E, H, FF), dtype=jnp.float32) * 0.02
    bg = jax.random.normal(ks[4], (E, FF), dtype=jnp.float32) * 0.02
    Wu = jax.random.normal(ks[5], (E, H, FF), dtype=jnp.float32) * 0.02
    bu = jax.random.normal(ks[6], (E, FF), dtype=jnp.float32) * 0.02
    Wd = jax.random.normal(ks[7], (E, FF, H), dtype=jnp.float32) * 0.02
    bd = jax.random.normal(ks[8], (E, H), dtype=jnp.float32) * 0.02
    return {"hidden_states": x, "gate_w": gate_w, "gate_b": gate_b, "Wg": Wg, "bg": bg, "Wu": Wu, "bu": bu, "Wd": Wd, "bd": bd}


def reference(hidden_states, gate_w, gate_b, Wg, bg, Wu, bu, Wd, bd):
    x = hidden_states
    # Router: logits = x @ W.T + b, top-k, softmax over selected scores
    router_logits = x @ gate_w.T + gate_b
    routing_vals, selected_experts = jax.lax.top_k(router_logits, TOP_K)
    routing_weights = jax.nn.softmax(routing_vals, axis=-1)
    result = jnp.zeros_like(x)
    for e in range(E):
        gate = x @ Wg[e] + bg[e]
        up = x @ Wu[e] + bu[e]
        gate_clamped = jnp.minimum(gate, LIMIT)
        up_clamped = jnp.clip(up, -LIMIT, LIMIT)
        glu = gate_clamped * jax.nn.sigmoid(ALPHA * gate_clamped)
        gated = (up_clamped + 1.0) * glu
        expert_output = gated @ Wd[e] + bd[e]
        match = (selected_experts == e).astype(jnp.float32)
        weight = jnp.sum(routing_weights * match, axis=-1, keepdims=True)
        result = result + expert_output * weight
    return result

if __name__ == "__main__":
    import jax
    _d = setup_inputs()
    print(jax.jit(kernel)(*tuple(_d.values())))

</pallas_src>

<mosaic_0001>
#map = affine_map<(d0) -> (0)>
module attributes {stable_mosaic.version = 14 : i64} {
  func.func @dispatch(%arg0: i32, %arg1: memref<256xi32, #tpu.memory_space<hbm>>, %arg2: memref<256xf32, #tpu.memory_space<hbm>>, %arg3: memref<256xf32, #tpu.memory_space<hbm>>, %arg4: memref<256xi32, #tpu.memory_space<hbm>>, %arg5: memref<2048xi32, #tpu.memory_space<hbm>>, %arg6: memref<2048xf32, #tpu.memory_space<hbm>>, %arg7: memref<256xi32, #tpu.memory_space<smem>>, %arg8: memref<256xf32, #tpu.memory_space<smem>>, %arg9: memref<256xf32, #tpu.memory_space<smem>>, %arg10: memref<1024xi32, #tpu.memory_space<smem>>, %arg11: memref<1024xf32, #tpu.memory_space<smem>>, %arg12: memref<128xi32, #tpu.memory_space<smem>>, %arg13: memref<4xi32, #tpu.memory_space<smem>>, %arg14: memref<!tpu.dma_semaphore, #tpu.memory_space<semaphore_mem>>) attributes {dimension_semantics = [#tpu.dimension_semantics<core_parallel>], iteration_bounds = array<i64: 2>, scalar_prefetch = 0 : i64, scratch_operands = 8 : i64, tpu.core_type = #tpu.core_type<sc_scalar_subcore>, window_params = [{transform_indices = #map}, {transform_indices = #map}, {transform_indices = #map}, {transform_indices = #map}, {transform_indices = #map}, {transform_indices = #map}]} {
    %mul3A = arith.constant 4 : i32
    %mul3A_0 = arith.muli %arg0, %mul3A : i32
    tpu.enqueue_dma source(%arg1 : memref<256xi32, #tpu.memory_space<hbm>>) target(%arg7 : memref<256xi32, #tpu.memory_space<smem>>) target_semaphore(%arg14 : memref<!tpu.dma_semaphore, #tpu.memory_space<semaphore_mem>>)
    tpu.enqueue_dma source(%arg2 : memref<256xf32, #tpu.memory_space<hbm>>) target(%arg8 : memref<256xf32, #tpu.memory_space<smem>>) target_semaphore(%arg14 : memref<!tpu.dma_semaphore, #tpu.memory_space<semaphore_mem>>)
    tpu.enqueue_dma source(%arg3 : memref<256xf32, #tpu.memory_space<hbm>>) target(%arg9 : memref<256xf32, #tpu.memory_space<smem>>) target_semaphore(%arg14 : memref<!tpu.dma_semaphore, #tpu.memory_space<semaphore_mem>>)
    tpu.wait_dma2 semaphore(%arg14 : memref<!tpu.dma_semaphore, #tpu.memory_space<semaphore_mem>>) src(%arg1 : memref<256xi32, #tpu.memory_space<hbm>>) dst(%arg7 : memref<256xi32, #tpu.memory_space<smem>>)
    tpu.wait_dma2 semaphore(%arg14 : memref<!tpu.dma_semaphore, #tpu.memory_space<semaphore_mem>>) src(%arg2 : memref<256xf32, #tpu.memory_space<hbm>>) dst(%arg8 : memref<256xf32, #tpu.memory_space<smem>>)
    tpu.wait_dma2 semaphore(%arg14 : memref<!tpu.dma_semaphore, #tpu.memory_space<semaphore_mem>>) src(%arg3 : memref<256xf32, #tpu.memory_space<hbm>>) dst(%arg9 : memref<256xf32, #tpu.memory_space<smem>>)
    %scan3A = arith.constant 0 : i32
    %scan3A_1 = arith.constant 4 : i32
    %scan3A_2 = arith.addi %scan3A, %scan3A_1 : i32
    %scan3A_3 = arith.constant 1 : i32
    scf.for %scan3A_23 = %scan3A to %scan3A_2 step %scan3A_3  : i32 {
      %mul3A_24 = arith.constant 1 : i32
      %mul3A_25 = arith.muli %scan3A_23, %mul3A_24 : i32
      %add3A = arith.constant 0 : i32
      %add3A_26 = arith.addi %add3A, %mul3A_25 : i32
      %swap3A = arith.constant 0 : i32
      %swap3A_27 = arith.index_cast %add3A_26 : i32 to index
      %swap3A_28 = memref.load %arg13[%swap3A_27] : memref<4xi32, #tpu.memory_space<smem>>
      memref.store %swap3A, %arg13[%swap3A_27] : memref<4xi32, #tpu.memory_space<smem>>
    }
    %scan3A_4 = arith.constant 4 : i32
    %scan3A_5 = arith.constant 0 : i32
    %scan3A_6 = arith.constant 256 : i32
    %scan3A_7 = arith.addi %scan3A_5, %scan3A_6 : i32
    %scan3A_8 = arith.constant 1 : i32
    scf.for %scan3A_23 = %scan3A_5 to %scan3A_7 step %scan3A_8  : i32 {
      %mul3A_24 = arith.constant 1 : i32
      %mul3A_25 = arith.muli %scan3A_23, %mul3A_24 : i32
      %add3A = arith.constant 0 : i32
      %add3A_26 = arith.addi %add3A, %mul3A_25 : i32
      %get3A = arith.index_cast %add3A_26 : i32 to index
      %get3A_27 = memref.load %arg7[%get3A] : memref<256xi32, #tpu.memory_space<smem>>
      %jit3A = arith.constant 8 : i32
      %div3A = arith.divsi %get3A_27, %jit3A : i32
      %sign3A = arith.constant 0 : i32
      %sign3A_28 = arith.cmpi sgt, %get3A_27, %sign3A : i32
      %sign3A_29 = arith.extui %sign3A_28 : i1 to i32
      %sign3A_30 = arith.constant 0 : i32
      %sign3A_31 = arith.cmpi slt, %get3A_27, %sign3A_30 : i32
      %sign3A_32 = arith.extui %sign3A_31 : i1 to i32
      %sign3A_33 = arith.subi %sign3A_29, %sign3A_32 : i32
      %sign3A_34 = arith.constant 0 : i32
      %sign3A_35 = arith.cmpi sgt, %jit3A, %sign3A_34 : i32
      %sign3A_36 = arith.extui %sign3A_35 : i1 to i32
      %sign3A_37 = arith.constant 0 : i32
      %sign3A_38 = arith.cmpi slt, %jit3A, %sign3A_37 : i32
      %sign3A_39 = arith.extui %sign3A_38 : i1 to i32
      %sign3A_40 = arith.subi %sign3A_36, %sign3A_39 : i32
      %ne3A = arith.cmpi ne, %sign3A_33, %sign3A_40 : i32
      %rem3A = arith.remsi %get3A_27, %jit3A : i32
      %ne3A_41 = arith.constant 0 : i32
      %ne3A_42 = arith.cmpi ne, %rem3A, %ne3A_41 : i32
      %and3A = arith.andi %ne3A, %ne3A_42 : i1
      %sub3A = arith.constant 1 : i32
      %sub3A_43 = arith.subi %div3A, %sub3A : i32
      %select_n3A = arith.select %and3A, %sub3A_43, %div3A : i32
      %mul3A_44 = arith.constant 8 : i32
      %mul3A_45 = arith.muli %select_n3A, %mul3A_44 : i32
      %sub3A_46 = arith.subi %get3A_27, %mul3A_45 : i32
      %sub3A_47 = arith.subi %select_n3A, %mul3A_0 : i32
      %sub3A_48 = arith.subi %sub3A_46, %mul3A_0 : i32
      %ge3A = arith.constant 0 : i32
      %ge3A_49 = arith.cmpi sge, %sub3A_47, %ge3A : i32
      %lt3A = arith.constant 4 : i32
      %lt3A_50 = arith.cmpi slt, %sub3A_47, %lt3A : i32
      %and3A_51 = arith.andi %ge3A_49, %lt3A_50 : i1
      %convert_element_type3A = arith.extui %and3A_51 : i1 to i32
      %cond3A = arith.constant 0 : i32
      %cond3A_52 = arith.cmpi ne, %convert_element_type3A, %cond3A : i32
      scf.if %cond3A_52 {
        %get3A_61 = arith.index_cast %sub3A_47 : i32 to index
        %get3A_62 = memref.load %arg13[%get3A_61] : memref<4xi32, #tpu.memory_space<smem>>
        %mul3A_63 = arith.constant 256 : i32
        %mul3A_64 = arith.muli %sub3A_47, %mul3A_63 : i32
        %add3A_65 = arith.addi %mul3A_64, %get3A_62 : i32
        %swap3A = arith.index_cast %add3A_65 : i32 to index
        %swap3A_66 = memref.load %arg10[%swap3A] : memref<1024xi32, #tpu.memory_space<smem>>
        memref.store %add3A_26, %arg10[%swap3A] : memref<1024xi32, #tpu.memory_space<smem>>
        %get3A_67 = arith.index_cast %add3A_26 : i32 to index
        %get3A_68 = memref.load %arg8[%get3A_67] : memref<256xf32, #tpu.memory_space<smem>>
        %mul3A_69 = arith.constant 256 : i32
        %mul3A_70 = arith.muli %sub3A_47, %mul3A_69 : i32
        %add3A_71 = arith.addi %mul3A_70, %get3A_62 : i32
        %swap3A_72 = arith.index_cast %add3A_71 : i32 to index
        %swap3A_73 = memref.load %arg11[%swap3A_72] : memref<1024xf32, #tpu.memory_space<smem>>
        memref.store %get3A_68, %arg11[%swap3A_72] : memref<1024xf32, #tpu.memory_space<smem>>
        %add3A_74 = arith.constant 1 : i32
        %add3A_75 = arith.addi %get3A_62, %add3A_74 : i32
        %swap3A_76 = arith.index_cast %sub3A_47 : i32 to index
        %swap3A_77 = memref.load %arg13[%swap3A_76] : memref<4xi32, #tpu.memory_space<smem>>
        memref.store %add3A_75, %arg13[%swap3A_76] : memref<4xi32, #tpu.memory_space<smem>>
      } else {
      }
      %ge3A_53 = arith.constant 0 : i32
      %ge3A_54 = arith.cmpi sge, %sub3A_48, %ge3A_53 : i32
      %lt3A_55 = arith.constant 4 : i32
      %lt3A_56 = arith.cmpi slt, %sub3A_48, %lt3A_55 : i32
      %and3A_57 = arith.andi %ge3A_54, %lt3A_56 : i1
      %convert_element_type3A_58 = arith.extui %and3A_57 : i1 to i32
      %cond3A_59 = arith.constant 0 : i32
      %cond3A_60 = arith.cmpi ne, %convert_element_type3A_58, %cond3A_59 : i32
      scf.if %cond3A_60 {
        %get3A_61 = arith.index_cast %sub3A_48 : i32 to index
        %get3A_62 = memref.load %arg13[%get3A_61] : memref<4xi32, #tpu.memory_space<smem>>
        %mul3A_63 = arith.constant 256 : i32
        %mul3A_64 = arith.muli %sub3A_48, %mul3A_63 : i32
        %add3A_65 = arith.addi %mul3A_64, %get3A_62 : i32
        %swap3A = arith.index_cast %add3A_65 : i32 to index
        %swap3A_66 = memref.load %arg10[%swap3A] : memref<1024xi32, #tpu.memory_space<smem>>
        memref.store %add3A_26, %arg10[%swap3A] : memref<1024xi32, #tpu.memory_space<smem>>
        %get3A_67 = arith.index_cast %add3A_26 : i32 to index
        %get3A_68 = memref.load %arg9[%get3A_67] : memref<256xf32, #tpu.memory_space<smem>>
        %mul3A_69 = arith.constant 256 : i32
        %mul3A_70 = arith.muli %sub3A_48, %mul3A_69 : i32
        %add3A_71 = arith.addi %mul3A_70, %get3A_62 : i32
        %swap3A_72 = arith.index_cast %add3A_71 : i32 to index
        %swap3A_73 = memref.load %arg11[%swap3A_72] : memref<1024xf32, #tpu.memory_space<smem>>
        memref.store %get3A_68, %arg11[%swap3A_72] : memref<1024xf32, #tpu.memory_space<smem>>
        %add3A_74 = arith.constant 1 : i32
        %add3A_75 = arith.addi %get3A_62, %add3A_74 : i32
        %swap3A_76 = arith.index_cast %sub3A_48 : i32 to index
        %swap3A_77 = memref.load %arg13[%swap3A_76] : memref<4xi32, #tpu.memory_space<smem>>
        memref.store %add3A_75, %arg13[%swap3A_76] : memref<4xi32, #tpu.memory_space<smem>>
      } else {
      }
    }
    %scan3A_9 = arith.constant 256 : i32
    %scan3A_10 = arith.constant 0 : i32
    %scan3A_11 = arith.constant 4 : i32
    %scan3A_12 = arith.addi %scan3A_10, %scan3A_11 : i32
    %scan3A_13 = arith.constant 1 : i32
    scf.for %scan3A_23 = %scan3A_10 to %scan3A_12 step %scan3A_13  : i32 {
      %mul3A_24 = arith.constant 1 : i32
      %mul3A_25 = arith.muli %scan3A_23, %mul3A_24 : i32
      %add3A = arith.constant 0 : i32
      %add3A_26 = arith.addi %add3A, %mul3A_25 : i32
      %get3A = arith.index_cast %add3A_26 : i32 to index
      %get3A_27 = memref.load %arg13[%get3A] : memref<4xi32, #tpu.memory_space<smem>>
      %swap3A = arith.index_cast %add3A_26 : i32 to index
      %swap3A_28 = memref.load %arg12[%swap3A] : memref<128xi32, #tpu.memory_space<smem>>
      memref.store %get3A_27, %arg12[%swap3A] : memref<128xi32, #tpu.memory_space<smem>>
      %add3A_29 = arith.constant 128 : i32
      %add3A_30 = arith.addi %get3A_27, %add3A_29 : i32
      %sub3A = arith.constant 1 : i32
      %sub3A_31 = arith.subi %add3A_30, %sub3A : i32
      %jit3A = arith.constant 128 : i32
      %div3A = arith.divsi %sub3A_31, %jit3A : i32
      %sign3A = arith.constant 0 : i32
      %sign3A_32 = arith.cmpi sgt, %sub3A_31, %sign3A : i32
      %sign3A_33 = arith.extui %sign3A_32 : i1 to i32
      %sign3A_34 = arith.constant 0 : i32
      %sign3A_35 = arith.cmpi slt, %sub3A_31, %sign3A_34 : i32
      %sign3A_36 = arith.extui %sign3A_35 : i1 to i32
      %sign3A_37 = arith.subi %sign3A_33, %sign3A_36 : i32
      %sign3A_38 = arith.constant 0 : i32
      %sign3A_39 = arith.cmpi sgt, %jit3A, %sign3A_38 : i32
      %sign3A_40 = arith.extui %sign3A_39 : i1 to i32
      %sign3A_41 = arith.constant 0 : i32
      %sign3A_42 = arith.cmpi slt, %jit3A, %sign3A_41 : i32
      %sign3A_43 = arith.extui %sign3A_42 : i1 to i32
      %sign3A_44 = arith.subi %sign3A_40, %sign3A_43 : i32
      %ne3A = arith.cmpi ne, %sign3A_37, %sign3A_44 : i32
      %rem3A = arith.remsi %sub3A_31, %jit3A : i32
      %ne3A_45 = arith.constant 0 : i32
      %ne3A_46 = arith.cmpi ne, %rem3A, %ne3A_45 : i32
      %and3A = arith.andi %ne3A, %ne3A_46 : i1
      %sub3A_47 = arith.constant 1 : i32
      %sub3A_48 = arith.subi %div3A, %sub3A_47 : i32
      %select_n3A = arith.select %and3A, %sub3A_48, %div3A : i32
      %mul3A_49 = arith.constant 128 : i32
      %mul3A_50 = arith.muli %select_n3A, %mul3A_49 : i32
      %scan3A_51 = arith.constant 0 : i32
      %scan3A_52 = arith.constant 128 : i32
      %scan3A_53 = arith.addi %scan3A_51, %scan3A_52 : i32
      %scan3A_54 = arith.constant 1 : i32
      scf.for %scan3A_56 = %scan3A_51 to %scan3A_53 step %scan3A_54  : i32 {
        %mul3A_57 = arith.constant 1 : i32
        %mul3A_58 = arith.muli %scan3A_56, %mul3A_57 : i32
        %add3A_59 = arith.constant 0 : i32
        %add3A_60 = arith.addi %add3A_59, %mul3A_58 : i32
        %add3A_61 = arith.addi %get3A_27, %add3A_60 : i32
        %lt3A = arith.cmpi slt, %add3A_61, %mul3A_50 : i32
        %convert_element_type3A = arith.extui %lt3A : i1 to i32
        %cond3A = arith.constant 0 : i32
        %cond3A_62 = arith.cmpi ne, %convert_element_type3A, %cond3A : i32
        scf.if %cond3A_62 {
          %mul3A_63 = arith.constant 256 : i32
          %mul3A_64 = arith.muli %add3A_26, %mul3A_63 : i32
          %add3A_65 = arith.addi %mul3A_64, %get3A_27 : i32
          %add3A_66 = arith.addi %add3A_65, %add3A_60 : i32
          %swap3A_67 = arith.constant 0.000000e+00 : f32
          %swap3A_68 = arith.index_cast %add3A_66 : i32 to index
          %swap3A_69 = memref.load %arg11[%swap3A_68] : memref<1024xf32, #tpu.memory_space<smem>>
          memref.store %swap3A_67, %arg11[%swap3A_68] : memref<1024xf32, #tpu.memory_space<smem>>
        } else {
        }
      }
      %scan3A_55 = arith.constant 128 : i32
    }
    %scan3A_14 = arith.constant 4 : i32
    %mul3A_15 = arith.constant 1024 : i32
    %mul3A_16 = arith.muli %arg0, %mul3A_15 : i32
    %dma_start3A = tpu.memref_slice %arg5[%mul3A_16] : memref<2048xi32, #tpu.memory_space<hbm>> -> memref<1024xi32, #tpu.memory_space<hbm>>
    tpu.enqueue_dma source(%arg10 : memref<1024xi32, #tpu.memory_space<smem>>) target(%dma_start3A : memref<1024xi32, #tpu.memory_space<hbm>>) target_semaphore(%arg14 : memref<!tpu.dma_semaphore, #tpu.memory_space<semaphore_mem>>)
    %dma_start3A_17 = tpu.memref_slice %arg6[%mul3A_16] : memref<2048xf32, #tpu.memory_space<hbm>> -> memref<1024xf32, #tpu.memory_space<hbm>>
    tpu.enqueue_dma source(%arg11 : memref<1024xf32, #tpu.memory_space<smem>>) target(%dma_start3A_17 : memref<1024xf32, #tpu.memory_space<hbm>>) target_semaphore(%arg14 : memref<!tpu.dma_semaphore, #tpu.memory_space<semaphore_mem>>)
    %mul3A_18 = arith.constant 128 : i32
    %mul3A_19 = arith.muli %arg0, %mul3A_18 : i32
    %dma_start3A_20 = tpu.memref_slice %arg4[%mul3A_19] : memref<256xi32, #tpu.memory_space<hbm>> -> memref<128xi32, #tpu.memory_space<hbm>>
    tpu.enqueue_dma source(%arg12 : memref<128xi32, #tpu.memory_space<smem>>) target(%dma_start3A_20 : memref<128xi32, #tpu.memory_space<hbm>>) target_semaphore(%arg14 : memref<!tpu.dma_semaphore, #tpu.memory_space<semaphore_mem>>)
    %dma_wait3A = tpu.memref_slice %arg5[%mul3A_16] : memref<2048xi32, #tpu.memory_space<hbm>> -> memref<1024xi32, #tpu.memory_space<hbm>>
    tpu.wait_dma2 semaphore(%arg14 : memref<!tpu.dma_semaphore, #tpu.memory_space<semaphore_mem>>) src(%arg10 : memref<1024xi32, #tpu.memory_space<smem>>) dst(%dma_wait3A : memref<1024xi32, #tpu.memory_space<hbm>>)
    %dma_wait3A_21 = tpu.memref_slice %arg6[%mul3A_16] : memref<2048xf32, #tpu.memory_space<hbm>> -> memref<1024xf32, #tpu.memory_space<hbm>>
    tpu.wait_dma2 semaphore(%arg14 : memref<!tpu.dma_semaphore, #tpu.memory_space<semaphore_mem>>) src(%arg11 : memref<1024xf32, #tpu.memory_space<smem>>) dst(%dma_wait3A_21 : memref<1024xf32, #tpu.memory_space<hbm>>)
    %dma_wait3A_22 = tpu.memref_slice %arg4[%mul3A_19] : memref<256xi32, #tpu.memory_space<hbm>> -> memref<128xi32, #tpu.memory_space<hbm>>
    tpu.wait_dma2 semaphore(%arg14 : memref<!tpu.dma_semaphore, #tpu.memory_space<semaphore_mem>>) src(%arg12 : memref<128xi32, #tpu.memory_space<smem>>) dst(%dma_wait3A_22 : memref<128xi32, #tpu.memory_space<hbm>>)
    return
  }
}

module attributes {stable_mosaic.version = 14 : i64} {
  func.func @_moe_kernel(%arg0: i32, %arg1: i32, %arg2: memref<8xi32, #tpu.memory_space<smem>>, %arg3: memref<256x2048xf32, #tpu.memory_space<vmem>>, %arg4: memref<1x2x128xi32, #tpu.memory_space<vmem>>, %arg5: memref<1x2x128xf32, #tpu.memory_space<vmem>>, %arg6: memref<1x2048x512xf32, #tpu.memory_space<vmem>>, %arg7: memref<1x1x512xf32, #tpu.memory_space<vmem>>, %arg8: memref<1x2048x512xf32, #tpu.memory_space<vmem>>, %arg9: memref<1x1x512xf32, #tpu.memory_space<vmem>>, %arg10: memref<1x512x2048xf32, #tpu.memory_space<vmem>>, %arg11: memref<1x1x2048xf32, #tpu.memory_space<vmem>>, %arg12: memref<256x2048xf32, #tpu.memory_space<vmem>>, %arg13: memref<256x2048xbf16, #tpu.memory_space<vmem>>, %arg14: memref<256x2048xbf16, #tpu.memory_space<vmem>>, %arg15: memref<256x2048xf32, #tpu.memory_space<vmem>>) attributes {dimension_semantics = [#tpu.dimension_semantics<arbitrary>, #tpu.dimension_semantics<arbitrary>], iteration_bounds = array<i64: 8, 8>, scalar_prefetch = 1 : i64, scratch_operands = 3 : i64, tpu.core_type = #tpu.core_type<tc>, window_params = [{pipeline_mode = #tpu.pipeline_mode<synchronous>, transform_indices = @transform_0, window_bounds = array<i64: 256, 2048>}, {transform_indices = @transform_1, window_bounds = array<i64: 1, 2, 128>}, {transform_indices = @transform_2, window_bounds = array<i64: 1, 2, 128>}, {transform_indices = @transform_3, window_bounds = array<i64: 1, 2048, 512>}, {transform_indices = @transform_4, window_bounds = array<i64: 1, 1, 512>}, {transform_indices = @transform_5, window_bounds = array<i64: 1, 2048, 512>}, {transform_indices = @transform_6, window_bounds = array<i64: 1, 1, 512>}, {transform_indices = @transform_7, window_bounds = array<i64: 1, 512, 2048>}, {transform_indices = @transform_8, window_bounds = array<i64: 1, 1, 2048>}, {pipeline_mode = #tpu.pipeline_mode<synchronous>, transform_indices = @transform_9, window_bounds = array<i64: 256, 2048>}]} {
    %get3A = arith.index_cast %arg0 : i32 to index
    %get3A_0 = memref.load %arg2[%get3A] : memref<8xi32, #tpu.memory_space<smem>>
    %eq3A = arith.constant 0 : i32
    %eq3A_1 = arith.cmpi eq, %arg0, %eq3A : i32
    %eq3A_2 = arith.constant 0 : i32
    %eq3A_3 = arith.cmpi eq, %arg1, %eq3A_2 : i32
    %and3A = arith.andi %eq3A_1, %eq3A_3 : i1
    %convert_element_type3A = arith.extui %and3A : i1 to i32
    %cond3A = arith.constant 0 : i32
    %cond3A_4 = arith.cmpi ne, %convert_element_type3A, %cond3A : i32
    scf.if %cond3A_4 {
      %get3A_14 = arith.constant 0 : index
      %get3A_15 = arith.constant 0 : index
      %get3A_16 = vector.load %arg3[%get3A_14, %get3A_15] : memref<256x2048xf32, #tpu.memory_space<vmem>>, vector<256x2048xf32>
      %convert_element_type3A_17 = arith.truncf %get3A_16 : vector<256x2048xf32> to vector<256x2048xbf16>
      %swap3A = arith.constant 0 : index
      %swap3A_18 = arith.constant 0 : index
      %swap3A_19 = vector.load %arg13[%swap3A, %swap3A_18] : memref<256x2048xbf16, #tpu.memory_space<vmem>>, vector<256x2048xbf16>
      tpu.vector_store %arg13[%swap3A, %swap3A_18], %convert_element_type3A_17 {strides = array<i32>} : memref<256x2048xbf16, #tpu.memory_space<vmem>>, vector<256x2048xbf16>,
      %broadcast_in_dim3A = arith.constant 0.000000e+00 : f32
      %broadcast_in_dim3A_20 = vector.broadcast %broadcast_in_dim3A : f32 to vector<256x2048xf32>
      %swap3A_21 = arith.constant 0 : index
      %swap3A_22 = arith.constant 0 : index
      %swap3A_23 = vector.load %arg12[%swap3A_21, %swap3A_22] : memref<256x2048xf32, #tpu.memory_space<vmem>>, vector<256x2048xf32>
      tpu.vector_store %arg12[%swap3A_21, %swap3A_22], %broadcast_in_dim3A_20 {strides = array<i32>} : memref<256x2048xf32, #tpu.memory_space<vmem>>, vector<256x2048xf32>,
    } else {
    }
    %gt3A = arith.constant 0 : i32
    %gt3A_5 = arith.cmpi sgt, %get3A_0, %gt3A : i32
    %convert_element_type3A_6 = arith.extui %gt3A_5 : i1 to i32
    %cond3A_7 = arith.constant 0 : i32
    %cond3A_8 = arith.cmpi ne, %convert_element_type3A_6, %cond3A_7 : i32
    scf.if %cond3A_8 {
      %get3A_14 = arith.constant 0 : index
      %get3A_15 = arith.constant 0 : index
      %get3A_16 = arith.constant 0 : index
      %get3A_17 = vector.load %arg4[%get3A_14, %get3A_15, %get3A_16] : memref<1x2x128xi32, #tpu.memory_space<vmem>>, vector<1x1x128xi32>
      %get3A_18 = vector.shape_cast %get3A_17 : vector<1x1x128xi32> to vector<128xi32>
      %broadcast_in_dim3A = vector.shape_cast %get3A_18 : vector<128xi32> to vector<1x128xi32>
      %iota3A = tpu.iota {dimensions = array<i32: 0>} : vector<256x128xi32>
      %eq3A_19 = vector.broadcast %broadcast_in_dim3A : vector<1x128xi32> to vector<256x128xi32>
      %eq3A_20 = arith.cmpi eq, %iota3A, %eq3A_19 : vector<256x128xi32>
      %convert_element_type3A_21 = arith.extui %eq3A_20 : vector<256x128xi1> to vector<256x128xi32>
      %convert_element_type3A_22 = arith.sitofp %convert_element_type3A_21 : vector<256x128xi32> to vector<256x128xf32>
      %eq3A_23 = arith.constant 0 : i32
      %eq3A_24 = arith.cmpi eq, %arg1, %eq3A_23 : i32
      %convert_element_type3A_25 = arith.extui %eq3A_24 : i1 to i32
      %cond3A_26 = arith.constant 0 : i32
      %cond3A_27 = arith.cmpi ne, %convert_element_type3A_25, %cond3A_26 : i32
      scf.if %cond3A_27 {
        %convert_element_type3A_103 = arith.truncf %convert_element_type3A_22 : vector<256x128xf32> to vector<256x128xbf16>
        %get3A_104 = arith.constant 0 : index
        %get3A_105 = arith.constant 0 : index
        %get3A_106 = vector.load %arg13[%get3A_104, %get3A_105] : memref<256x2048xbf16, #tpu.memory_space<vmem>>, vector<256x2048xbf16>
        %dot_general3A_107 = arith.constant dense<0.000000e+00> : vector<128x2048xf32>
        %dot_general3A_108 = tpu.matmul %convert_element_type3A_103, %get3A_106, %dot_general3A_107 {dimension_numbers = #tpu.dot_dimension_numbers<[0], [0], [1], [1], [0, 1, 1, 1], [], []>, transpose_lhs_hint = false} : vector<256x128xbf16>, vector<256x2048xbf16>, vector<128x2048xf32> -> vector<128x2048xf32>
        %convert_element_type3A_109 = arith.truncf %dot_general3A_108 : vector<128x2048xf32> to vector<128x2048xbf16>
        %swap3A = arith.constant 0 : index
        %swap3A_110 = arith.constant 0 : index
        %swap3A_111 = vector.load %arg14[%swap3A, %swap3A_110] : memref<256x2048xbf16, #tpu.memory_space<vmem>>, vector<128x2048xbf16>
        tpu.vector_store %arg14[%swap3A, %swap3A_110], %convert_element_type3A_109 {strides = array<i32>} : memref<256x2048xbf16, #tpu.memory_space<vmem>>, vector<128x2048xbf16>,
      } else {
      }
      %get3A_28 = arith.constant 0 : index
      %get3A_29 = arith.constant 0 : index
      %get3A_30 = vector.load %arg14[%get3A_28, %get3A_29] : memref<256x2048xbf16, #tpu.memory_space<vmem>>, vector<128x2048xbf16>
      %get3A_31 = arith.constant 0 : index
      %get3A_32 = arith.constant 0 : index
      %get3A_33 = arith.constant 0 : index
      %get3A_34 = vector.load %arg6[%get3A_31, %get3A_32, %get3A_33] : memref<1x2048x512xf32, #tpu.memory_space<vmem>>, vector<1x2048x512xf32>
      %get3A_35 = vector.shape_cast %get3A_34 : vector<1x2048x512xf32> to vector<2048x512xf32>
      %convert_element_type3A_36 = arith.truncf %get3A_35 : vector<2048x512xf32> to vector<2048x512xbf16>
      %dot_general3A = arith.constant dense<0.000000e+00> : vector<128x512xf32>
      %dot_general3A_37 = tpu.matmul %get3A_30, %convert_element_type3A_36, %dot_general3A {dimension_numbers = #tpu.dot_dimension_numbers<[1], [0], [0], [1], [0, 0, 1, 1], [], []>, transpose_lhs_hint = false} : vector<128x2048xbf16>, vector<2048x512xbf16>, vector<128x512xf32> -> vector<128x512xf32>
      %get3A_38 = arith.constant 0 : index
      %get3A_39 = arith.constant 0 : index
      %get3A_40 = arith.constant 0 : index
      %get3A_41 = vector.load %arg7[%get3A_38, %get3A_39, %get3A_40] : memref<1x1x512xf32, #tpu.memory_space<vmem>>, vector<1x1x512xf32>
      %get3A_42 = vector.shape_cast %get3A_41 : vector<1x1x512xf32> to vector<512xf32>
      %broadcast_in_dim3A_43 = vector.shape_cast %get3A_42 : vector<512xf32> to vector<1x512xf32>
      %add3A = vector.broadcast %broadcast_in_dim3A_43 : vector<1x512xf32> to vector<128x512xf32>
      %add3A_44 = arith.addf %dot_general3A_37, %add3A : vector<128x512xf32>
      %get3A_45 = arith.constant 0 : index
      %get3A_46 = arith.constant 0 : index
      %get3A_47 = arith.constant 0 : index
      %get3A_48 = vector.load %arg8[%get3A_45, %get3A_46, %get3A_47] : memref<1x2048x512xf32, #tpu.memory_space<vmem>>, vector<1x2048x512xf32>
      %get3A_49 = vector.shape_cast %get3A_48 : vector<1x2048x512xf32> to vector<2048x512xf32>
      %convert_element_type3A_50 = arith.truncf %get3A_49 : vector<2048x512xf32> to vector<2048x512xbf16>
      %dot_general3A_51 = arith.constant dense<0.000000e+00> : vector<128x512xf32>
      %dot_general3A_52 = tpu.matmul %get3A_30, %convert_element_type3A_50, %dot_general3A_51 {dimension_numbers = #tpu.dot_dimension_numbers<[1], [0], [0], [1], [0, 0, 1, 1], [], []>, transpose_lhs_hint = false} : vector<128x2048xbf16>, vector<2048x512xbf16>, vector<128x512xf32> -> vector<128x512xf32>
      %get3A_53 = arith.constant 0 : index
      %get3A_54 = arith.constant 0 : index
      %get3A_55 = arith.constant 0 : index
      %get3A_56 = vector.load %arg9[%get3A_53, %get3A_54, %get3A_55] : memref<1x1x512xf32, #tpu.memory_space<vmem>>, vector<1x1x512xf32>
      %get3A_57 = vector.shape_cast %get3A_56 : vector<1x1x512xf32> to vector<512xf32>
      %broadcast_in_dim3A_58 = vector.shape_cast %get3A_57 : vector<512xf32> to vector<1x512xf32>
      %add3A_59 = vector.broadcast %broadcast_in_dim3A_58 : vector<1x512xf32> to vector<128x512xf32>
      %add3A_60 = arith.addf %dot_general3A_52, %add3A_59 : vector<128x512xf32>
      %min3A = arith.constant 7.000000e+00 : f32
      %min3A_61 = vector.broadcast %min3A : f32 to vector<128x512xf32>
      %min3A_62 = arith.minimumf %add3A_44, %min3A_61 : vector<128x512xf32>
      %jit3A = arith.constant -7.000000e+00 : f32
      %jit3A_63 = arith.constant 7.000000e+00 : f32
      %max3A = vector.broadcast %jit3A : f32 to vector<128x512xf32>
      %max3A_64 = arith.maximumf %max3A, %add3A_60 : vector<128x512xf32>
      %min3A_65 = vector.broadcast %jit3A_63 : f32 to vector<128x512xf32>
      %min3A_66 = arith.minimumf %min3A_65, %max3A_64 : vector<128x512xf32>
      %mul3A = arith.constant 1.702000e+00 : f32
      %mul3A_67 = vector.broadcast %mul3A : f32 to vector<128x512xf32>
      %mul3A_68 = arith.mulf %mul3A_67, %min3A_62 : vector<128x512xf32>
      %logistic3A = arith.negf %mul3A_68 : vector<128x512xf32>
      %logistic3A_69 = math.exp %logistic3A : vector<128x512xf32>
      %logistic3A_70 = arith.constant 1.000000e+00 : f32
      %logistic3A_71 = vector.broadcast %logistic3A_70 : f32 to vector<128x512xf32>
      %logistic3A_72 = arith.addf %logistic3A_71, %logistic3A_69 : vector<128x512xf32>
      %logistic3A_73 = arith.divf %logistic3A_71, %logistic3A_72 : vector<128x512xf32>
      %mul3A_74 = arith.mulf %min3A_62, %logistic3A_73 : vector<128x512xf32>
      %add3A_75 = arith.constant 1.000000e+00 : f32
      %add3A_76 = vector.broadcast %add3A_75 : f32 to vector<128x512xf32>
      %add3A_77 = arith.addf %min3A_66, %add3A_76 : vector<128x512xf32>
      %mul3A_78 = arith.mulf %add3A_77, %mul3A_74 : vector<128x512xf32>
      %convert_element_type3A_79 = arith.truncf %mul3A_78 : vector<128x512xf32> to vector<128x512xbf16>
      %get3A_80 = arith.constant 0 : index
      %get3A_81 = arith.constant 0 : index
      %get3A_82 = arith.constant 0 : index
      %get3A_83 = vector.load %arg10[%get3A_80, %get3A_81, %get3A_82] : memref<1x512x2048xf32, #tpu.memory_space<vmem>>, vector<1x512x2048xf32>
      %get3A_84 = vector.shape_cast %get3A_83 : vector<1x512x2048xf32> to vector<512x2048xf32>
      %convert_element_type3A_85 = arith.truncf %get3A_84 : vector<512x2048xf32> to vector<512x2048xbf16>
      %dot_general3A_86 = arith.constant dense<0.000000e+00> : vector<128x2048xf32>
      %dot_general3A_87 = tpu.matmul %convert_element_type3A_79, %convert_element_type3A_85, %dot_general3A_86 {dimension_numbers = #tpu.dot_dimension_numbers<[1], [0], [0], [1], [0, 0, 1, 1], [], []>, transpose_lhs_hint = false} : vector<128x512xbf16>, vector<512x2048xbf16>, vector<128x2048xf32> -> vector<128x2048xf32>
      %eq3A_88 = arith.constant 0 : i32
      %eq3A_89 = arith.cmpi eq, %arg1, %eq3A_88 : i32
      %convert_element_type3A_90 = arith.extui %eq3A_89 : i1 to i32
      %cond3A_91 = arith.constant 0 : i32
      %cond3A_92 = arith.cmpi ne, %convert_element_type3A_90, %cond3A_91 : i32
      scf.if %cond3A_92 {
        %swap3A = arith.constant 0 : index
        %swap3A_103 = arith.constant 0 : index
        %swap3A_104 = vector.load %arg15[%swap3A, %swap3A_103] : memref<256x2048xf32, #tpu.memory_space<vmem>>, vector<128x2048xf32>
        tpu.vector_store %arg15[%swap3A, %swap3A_103], %dot_general3A_87 {strides = array<i32>} : memref<256x2048xf32, #tpu.memory_space<vmem>>, vector<128x2048xf32>,
      } else {
      }
      %gt3A_93 = arith.constant 0 : i32
      %gt3A_94 = arith.cmpi sgt, %arg1, %gt3A_93 : i32
      %convert_element_type3A_95 = arith.extui %gt3A_94 : i1 to i32
      %cond3A_96 = arith.constant 0 : i32
      %cond3A_97 = arith.cmpi ne, %convert_element_type3A_95, %cond3A_96 : i32
      scf.if %cond3A_97 {
        %get3A_103 = arith.constant 0 : index
        %get3A_104 = arith.constant 0 : index
        %get3A_105 = vector.load %arg15[%get3A_103, %get3A_104] : memref<256x2048xf32, #tpu.memory_space<vmem>>, vector<128x2048xf32>
        %add3A_106 = arith.addf %get3A_105, %dot_general3A_87 : vector<128x2048xf32>
        %swap3A = arith.constant 0 : index
        %swap3A_107 = arith.constant 0 : index
        %swap3A_108 = vector.load %arg15[%swap3A, %swap3A_107] : memref<256x2048xf32, #tpu.memory_space<vmem>>, vector<128x2048xf32>
        tpu.vector_store %arg15[%swap3A, %swap3A_107], %add3A_106 {strides = array<i32>} : memref<256x2048xf32, #tpu.memory_space<vmem>>, vector<128x2048xf32>,
      } else {
      }
      %eq3A_98 = arith.constant 7 : i32
      %eq3A_99 = arith.cmpi eq, %arg1, %eq3A_98 : i32
      %convert_element_type3A_100 = arith.extui %eq3A_99 : i1 to i32
      %cond3A_101 = arith.constant 0 : i32
      %cond3A_102 = arith.cmpi ne, %convert_element_type3A_100, %cond3A_101 : i32
      scf.if %cond3A_102 {
        %get3A_103 = arith.constant 0 : index
        %get3A_104 = arith.constant 0 : index
        %get3A_105 = arith.constant 0 : index
        %get3A_106 = vector.load %arg5[%get3A_103, %get3A_104, %get3A_105] : memref<1x2x128xf32, #tpu.memory_space<vmem>>, vector<1x1x128xf32>
        %get3A_107 = vector.shape_cast %get3A_106 : vector<1x1x128xf32> to vector<128xf32>
        %broadcast_in_dim3A_108 = vector.shape_cast %get3A_107 : vector<128xf32> to vector<1x128xf32>
        %mul3A_109 = vector.broadcast %broadcast_in_dim3A_108 : vector<1x128xf32> to vector<256x128xf32>
        %mul3A_110 = arith.mulf %convert_element_type3A_22, %mul3A_109 : vector<256x128xf32>
        %get3A_111 = arith.constant 0 : index
        %get3A_112 = arith.constant 0 : index
        %get3A_113 = vector.load %arg15[%get3A_111, %get3A_112] : memref<256x2048xf32, #tpu.memory_space<vmem>>, vector<128x2048xf32>
        %get3A_114 = arith.constant 0 : index
        %get3A_115 = arith.constant 0 : index
        %get3A_116 = arith.constant 0 : index
        %get3A_117 = vector.load %arg11[%get3A_114, %get3A_115, %get3A_116] : memref<1x1x2048xf32, #tpu.memory_space<vmem>>, vector<1x1x2048xf32>
        %get3A_118 = vector.shape_cast %get3A_117 : vector<1x1x2048xf32> to vector<2048xf32>
        %broadcast_in_dim3A_119 = vector.shape_cast %get3A_118 : vector<2048xf32> to vector<1x2048xf32>
        %add3A_120 = vector.broadcast %broadcast_in_dim3A_119 : vector<1x2048xf32> to vector<128x2048xf32>
        %add3A_121 = arith.addf %get3A_113, %add3A_120 : vector<128x2048xf32>
        %get3A_122 = arith.constant 0 : index
        %get3A_123 = arith.constant 0 : index
        %get3A_124 = vector.load %arg12[%get3A_122, %get3A_123] : memref<256x2048xf32, #tpu.memory_space<vmem>>, vector<256x2048xf32>
        %convert_element_type3A_125 = arith.truncf %mul3A_110 : vector<256x128xf32> to vector<256x128xbf16>
        %convert_element_type3A_126 = arith.truncf %add3A_121 : vector<128x2048xf32> to vector<128x2048xbf16>
        %dot_general3A_127 = arith.constant dense<0.000000e+00> : vector<256x2048xf32>
        %dot_general3A_128 = tpu.matmul %convert_element_type3A_125, %convert_element_type3A_126, %dot_general3A_127 {dimension_numbers = #tpu.dot_dimension_numbers<[1], [0], [0], [1], [0, 0, 1, 1], [], []>, transpose_lhs_hint = false} : vector<256x128xbf16>, vector<128x2048xbf16>, vector<256x2048xf32> -> vector<256x2048xf32>
        %add3A_129 = arith.addf %get3A_124, %dot_general3A_128 : vector<256x2048xf32>
        %swap3A = arith.constant 0 : index
        %swap3A_130 = arith.constant 0 : index
        %swap3A_131 = vector.load %arg12[%swap3A, %swap3A_130] : memref<256x2048xf32, #tpu.memory_space<vmem>>, vector<256x2048xf32>
        tpu.vector_store %arg12[%swap3A, %swap3A_130], %add3A_129 {strides = array<i32>} : memref<256x2048xf32, #tpu.memory_space<vmem>>, vector<256x2048xf32>,
      } else {
      }
    } else {
    }
    %gt3A_9 = arith.constant 128 : i32
    %gt3A_10 = arith.cmpi sgt, %get3A_0, %gt3A_9 : i32
    %convert_element_type3A_11 = arith.extui %gt3A_10 : i1 to i32
    %cond3A_12 = arith.constant 0 : i32
    %cond3A_13 = arith.cmpi ne, %convert_element_type3A_11, %cond3A_12 : i32
    scf.if %cond3A_13 {
      %get3A_14 = arith.constant 0 : index
      %get3A_15 = arith.constant 1 : index
      %get3A_16 = arith.constant 0 : index
      %get3A_17 = vector.load %arg4[%get3A_14, %get3A_15, %get3A_16] : memref<1x2x128xi32, #tpu.memory_space<vmem>>, vector<1x1x128xi32>
      %get3A_18 = vector.shape_cast %get3A_17 : vector<1x1x128xi32> to vector<128xi32>
      %broadcast_in_dim3A = vector.shape_cast %get3A_18 : vector<128xi32> to vector<1x128xi32>
      %iota3A = tpu.iota {dimensions = array<i32: 0>} : vector<256x128xi32>
      %eq3A_19 = vector.broadcast %broadcast_in_dim3A : vector<1x128xi32> to vector<256x128xi32>
      %eq3A_20 = arith.cmpi eq, %iota3A, %eq3A_19 : vector<256x128xi32>
      %convert_element_type3A_21 = arith.extui %eq3A_20 : vector<256x128xi1> to vector<256x128xi32>
      %convert_element_type3A_22 = arith.sitofp %convert_element_type3A_21 : vector<256x128xi32> to vector<256x128xf32>
      %eq3A_23 = arith.constant 0 : i32
      %eq3A_24 = arith.cmpi eq, %arg1, %eq3A_23 : i32
      %convert_element_type3A_25 = arith.extui %eq3A_24 : i1 to i32
      %cond3A_26 = arith.constant 0 : i32
      %cond3A_27 = arith.cmpi ne, %convert_element_type3A_25, %cond3A_26 : i32
      scf.if %cond3A_27 {
        %convert_element_type3A_103 = arith.truncf %convert_element_type3A_22 : vector<256x128xf32> to vector<256x128xbf16>
        %get3A_104 = arith.constant 0 : index
        %get3A_105 = arith.constant 0 : index
        %get3A_106 = vector.load %arg13[%get3A_104, %get3A_105] : memref<256x2048xbf16, #tpu.memory_space<vmem>>, vector<256x2048xbf16>
        %dot_general3A_107 = arith.constant dense<0.000000e+00> : vector<128x2048xf32>
        %dot_general3A_108 = tpu.matmul %convert_element_type3A_103, %get3A_106, %dot_general3A_107 {dimension_numbers = #tpu.dot_dimension_numbers<[0], [0], [1], [1], [0, 1, 1, 1], [], []>, transpose_lhs_hint = false} : vector<256x128xbf16>, vector<256x2048xbf16>, vector<128x2048xf32> -> vector<128x2048xf32>
        %convert_element_type3A_109 = arith.truncf %dot_general3A_108 : vector<128x2048xf32> to vector<128x2048xbf16>
        %swap3A = arith.constant 128 : index
        %swap3A_110 = arith.constant 0 : index
        %swap3A_111 = vector.load %arg14[%swap3A, %swap3A_110] : memref<256x2048xbf16, #tpu.memory_space<vmem>>, vector<128x2048xbf16>
        tpu.vector_store %arg14[%swap3A, %swap3A_110], %convert_element_type3A_109 {strides = array<i32>} : memref<256x2048xbf16, #tpu.memory_space<vmem>>, vector<128x2048xbf16>,
      } else {
      }
      %get3A_28 = arith.constant 128 : index
      %get3A_29 = arith.constant 0 : index
      %get3A_30 = vector.load %arg14[%get3A_28, %get3A_29] : memref<256x2048xbf16, #tpu.memory_space<vmem>>, vector<128x2048xbf16>
      %get3A_31 = arith.constant 0 : index
      %get3A_32 = arith.constant 0 : index
      %get3A_33 = arith.constant 0 : index
      %get3A_34 = vector.load %arg6[%get3A_31, %get3A_32, %get3A_33] : memref<1x2048x512xf32, #tpu.memory_space<vmem>>, vector<1x2048x512xf32>
      %get3A_35 = vector.shape_cast %get3A_34 : vector<1x2048x512xf32> to vector<2048x512xf32>
      %convert_element_type3A_36 = arith.truncf %get3A_35 : vector<2048x512xf32> to vector<2048x512xbf16>
      %dot_general3A = arith.constant dense<0.000000e+00> : vector<128x512xf32>
      %dot_general3A_37 = tpu.matmul %get3A_30, %convert_element_type3A_36, %dot_general3A {dimension_numbers = #tpu.dot_dimension_numbers<[1], [0], [0], [1], [0, 0, 1, 1], [], []>, transpose_lhs_hint = false} : vector<128x2048xbf16>, vector<2048x512xbf16>, vector<128x512xf32> -> vector<128x512xf32>
      %get3A_38 = arith.constant 0 : index
      %get3A_39 = arith.constant 0 : index
      %get3A_40 = arith.constant 0 : index
      %get3A_41 = vector.load %arg7[%get3A_38, %get3A_39, %get3A_40] : memref<1x1x512xf32, #tpu.memory_space<vmem>>, vector<1x1x512xf32>
      %get3A_42 = vector.shape_cast %get3A_41 : vector<1x1x512xf32> to vector<512xf32>
      %broadcast_in_dim3A_43 = vector.shape_cast %get3A_42 : vector<512xf32> to vector<1x512xf32>
      %add3A = vector.broadcast %broadcast_in_dim3A_43 : vector<1x512xf32> to vector<128x512xf32>
      %add3A_44 = arith.addf %dot_general3A_37, %add3A : vector<128x512xf32>
      %get3A_45 = arith.constant 0 : index
      %get3A_46 = arith.constant 0 : index
      %get3A_47 = arith.constant 0 : index
      %get3A_48 = vector.load %arg8[%get3A_45, %get3A_46, %get3A_47] : memref<1x2048x512xf32, #tpu.memory_space<vmem>>, vector<1x2048x512xf32>
      %get3A_49 = vector.shape_cast %get3A_48 : vector<1x2048x512xf32> to vector<2048x512xf32>
      %convert_element_type3A_50 = arith.truncf %get3A_49 : vector<2048x512xf32> to vector<2048x512xbf16>
      %dot_general3A_51 = arith.constant dense<0.000000e+00> : vector<128x512xf32>
      %dot_general3A_52 = tpu.matmul %get3A_30, %convert_element_type3A_50, %dot_general3A_51 {dimension_numbers = #tpu.dot_dimension_numbers<[1], [0], [0], [1], [0, 0, 1, 1], [], []>, transpose_lhs_hint = false} : vector<128x2048xbf16>, vector<2048x512xbf16>, vector<128x512xf32> -> vector<128x512xf32>
      %get3A_53 = arith.constant 0 : index
      %get3A_54 = arith.constant 0 : index
      %get3A_55 = arith.constant 0 : index
      %get3A_56 = vector.load %arg9[%get3A_53, %get3A_54, %get3A_55] : memref<1x1x512xf32, #tpu.memory_space<vmem>>, vector<1x1x512xf32>
      %get3A_57 = vector.shape_cast %get3A_56 : vector<1x1x512xf32> to vector<512xf32>
      %broadcast_in_dim3A_58 = vector.shape_cast %get3A_57 : vector<512xf32> to vector<1x512xf32>
      %add3A_59 = vector.broadcast %broadcast_in_dim3A_58 : vector<1x512xf32> to vector<128x512xf32>
      %add3A_60 = arith.addf %dot_general3A_52, %add3A_59 : vector<128x512xf32>
      %min3A = arith.constant 7.000000e+00 : f32
      %min3A_61 = vector.broadcast %min3A : f32 to vector<128x512xf32>
      %min3A_62 = arith.minimumf %add3A_44, %min3A_61 : vector<128x512xf32>
      %jit3A = arith.constant -7.000000e+00 : f32
      %jit3A_63 = arith.constant 7.000000e+00 : f32
      %max3A = vector.broadcast %jit3A : f32 to vector<128x512xf32>
      %max3A_64 = arith.maximumf %max3A, %add3A_60 : vector<128x512xf32>
      %min3A_65 = vector.broadcast %jit3A_63 : f32 to vector<128x512xf32>
      %min3A_66 = arith.minimumf %min3A_65, %max3A_64 : vector<128x512xf32>
      %mul3A = arith.constant 1.702000e+00 : f32
      %mul3A_67 = vector.broadcast %mul3A : f32 to vector<128x512xf32>
      %mul3A_68 = arith.mulf %mul3A_67, %min3A_62 : vector<128x512xf32>
      %logistic3A = arith.negf %mul3A_68 : vector<128x512xf32>
      %logistic3A_69 = math.exp %logistic3A : vector<128x512xf32>
      %logistic3A_70 = arith.constant 1.000000e+00 : f32
      %logistic3A_71 = vector.broadcast %logistic3A_70 : f32 to vector<128x512xf32>
      %logistic3A_72 = arith.addf %logistic3A_71, %logistic3A_69 : vector<128x512xf32>
      %logistic3A_73 = arith.divf %logistic3A_71, %logistic3A_72 : vector<128x512xf32>
      %mul3A_74 = arith.mulf %min3A_62, %logistic3A_73 : vector<128x512xf32>
      %add3A_75 = arith.constant 1.000000e+00 : f32
      %add3A_76 = vector.broadcast %add3A_75 : f32 to vector<128x512xf32>
      %add3A_77 = arith.addf %min3A_66, %add3A_76 : vector<128x512xf32>
      %mul3A_78 = arith.mulf %add3A_77, %mul3A_74 : vector<128x512xf32>
      %convert_element_type3A_79 = arith.truncf %mul3A_78 : vector<128x512xf32> to vector<128x512xbf16>
      %get3A_80 = arith.constant 0 : index
      %get3A_81 = arith.constant 0 : index
      %get3A_82 = arith.constant 0 : index
      %get3A_83 = vector.load %arg10[%get3A_80, %get3A_81, %get3A_82] : memref<1x512x2048xf32, #tpu.memory_space<vmem>>, vector<1x512x2048xf32>
      %get3A_84 = vector.shape_cast %get3A_83 : vector<1x512x2048xf32> to vector<512x2048xf32>
      %convert_element_type3A_85 = arith.truncf %get3A_84 : vector<512x2048xf32> to vector<512x2048xbf16>
      %dot_general3A_86 = arith.constant dense<0.000000e+00> : vector<128x2048xf32>
      %dot_general3A_87 = tpu.matmul %convert_element_type3A_79, %convert_element_type3A_85, %dot_general3A_86 {dimension_numbers = #tpu.dot_dimension_numbers<[1], [0], [0], [1], [0, 0, 1, 1], [], []>, transpose_lhs_hint = false} : vector<128x512xbf16>, vector<512x2048xbf16>, vector<128x2048xf32> -> vector<128x2048xf32>
      %eq3A_88 = arith.constant 0 : i32
      %eq3A_89 = arith.cmpi eq, %arg1, %eq3A_88 : i32
      %convert_element_type3A_90 = arith.extui %eq3A_89 : i1 to i32
      %cond3A_91 = arith.constant 0 : i32
      %cond3A_92 = arith.cmpi ne, %convert_element_type3A_90, %cond3A_91 : i32
      scf.if %cond3A_92 {
        %swap3A = arith.constant 128 : index
        %swap3A_103 = arith.constant 0 : index
        %swap3A_104 = vector.load %arg15[%swap3A, %swap3A_103] : memref<256x2048xf32, #tpu.memory_space<vmem>>, vector<128x2048xf32>
        tpu.vector_store %arg15[%swap3A, %swap3A_103], %dot_general3A_87 {strides = array<i32>} : memref<256x2048xf32, #tpu.memory_space<vmem>>, vector<128x2048xf32>,
      } else {
      }
      %gt3A_93 = arith.constant 0 : i32
      %gt3A_94 = arith.cmpi sgt, %arg1, %gt3A_93 : i32
      %convert_element_type3A_95 = arith.extui %gt3A_94 : i1 to i32
      %cond3A_96 = arith.constant 0 : i32
      %cond3A_97 = arith.cmpi ne, %convert_element_type3A_95, %cond3A_96 : i32
      scf.if %cond3A_97 {
        %get3A_103 = arith.constant 128 : index
        %get3A_104 = arith.constant 0 : index
        %get3A_105 = vector.load %arg15[%get3A_103, %get3A_104] : memref<256x2048xf32, #tpu.memory_space<vmem>>, vector<128x2048xf32>
        %add3A_106 = arith.addf %get3A_105, %dot_general3A_87 : vector<128x2048xf32>
        %swap3A = arith.constant 128 : index
        %swap3A_107 = arith.constant 0 : index
        %swap3A_108 = vector.load %arg15[%swap3A, %swap3A_107] : memref<256x2048xf32, #tpu.memory_space<vmem>>, vector<128x2048xf32>
        tpu.vector_store %arg15[%swap3A, %swap3A_107], %add3A_106 {strides = array<i32>} : memref<256x2048xf32, #tpu.memory_space<vmem>>, vector<128x2048xf32>,
      } else {
      }
      %eq3A_98 = arith.constant 7 : i32
      %eq3A_99 = arith.cmpi eq, %arg1, %eq3A_98 : i32
      %convert_element_type3A_100 = arith.extui %eq3A_99 : i1 to i32
      %cond3A_101 = arith.constant 0 : i32
      %cond3A_102 = arith.cmpi ne, %convert_element_type3A_100, %cond3A_101 : i32
      scf.if %cond3A_102 {
        %get3A_103 = arith.constant 0 : index
        %get3A_104 = arith.constant 1 : index
        %get3A_105 = arith.constant 0 : index
        %get3A_106 = vector.load %arg5[%get3A_103, %get3A_104, %get3A_105] : memref<1x2x128xf32, #tpu.memory_space<vmem>>, vector<1x1x128xf32>
        %get3A_107 = vector.shape_cast %get3A_106 : vector<1x1x128xf32> to vector<128xf32>
        %broadcast_in_dim3A_108 = vector.shape_cast %get3A_107 : vector<128xf32> to vector<1x128xf32>
        %mul3A_109 = vector.broadcast %broadcast_in_dim3A_108 : vector<1x128xf32> to vector<256x128xf32>
        %mul3A_110 = arith.mulf %convert_element_type3A_22, %mul3A_109 : vector<256x128xf32>
        %get3A_111 = arith.constant 128 : index
        %get3A_112 = arith.constant 0 : index
        %get3A_113 = vector.load %arg15[%get3A_111, %get3A_112] : memref<256x2048xf32, #tpu.memory_space<vmem>>, vector<128x2048xf32>
        %get3A_114 = arith.constant 0 : index
        %get3A_115 = arith.constant 0 : index
        %get3A_116 = arith.constant 0 : index
        %get3A_117 = vector.load %arg11[%get3A_114, %get3A_115, %get3A_116] : memref<1x1x2048xf32, #tpu.memory_space<vmem>>, vector<1x1x2048xf32>
        %get3A_118 = vector.shape_cast %get3A_117 : vector<1x1x2048xf32> to vector<2048xf32>
        %broadcast_in_dim3A_119 = vector.shape_cast %get3A_118 : vector<2048xf32> to vector<1x2048xf32>
        %add3A_120 = vector.broadcast %broadcast_in_dim3A_119 : vector<1x2048xf32> to vector<128x2048xf32>
        %add3A_121 = arith.addf %get3A_113, %add3A_120 : vector<128x2048xf32>
        %get3A_122 = arith.constant 0 : index
        %get3A_123 = arith.constant 0 : index
        %get3A_124 = vector.load %arg12[%get3A_122, %get3A_123] : memref<256x2048xf32, #tpu.memory_space<vmem>>, vector<256x2048xf32>
        %convert_element_type3A_125 = arith.truncf %mul3A_110 : vector<256x128xf32> to vector<256x128xbf16>
        %convert_element_type3A_126 = arith.truncf %add3A_121 : vector<128x2048xf32> to vector<128x2048xbf16>
        %dot_general3A_127 = arith.constant dense<0.000000e+00> : vector<256x2048xf32>
        %dot_general3A_128 = tpu.matmul %convert_element_type3A_125, %convert_element_type3A_126, %dot_general3A_127 {dimension_numbers = #tpu.dot_dimension_numbers<[1], [0], [0], [1], [0, 0, 1, 1], [], []>, transpose_lhs_hint = false} : vector<256x128xbf16>, vector<128x2048xbf16>, vector<256x2048xf32> -> vector<256x2048xf32>
        %add3A_129 = arith.addf %get3A_124, %dot_general3A_128 : vector<256x2048xf32>
        %swap3A = arith.constant 0 : index
        %swap3A_130 = arith.constant 0 : index
        %swap3A_131 = vector.load %arg12[%swap3A, %swap3A_130] : memref<256x2048xf32, #tpu.memory_space<vmem>>, vector<256x2048xf32>
        tpu.vector_store %arg12[%swap3A, %swap3A_130], %add3A_129 {strides = array<i32>} : memref<256x2048xf32, #tpu.memory_space<vmem>>, vector<256x2048xf32>,
      } else {
      }
    } else {
    }
    return
  }
  func.func @transform_0(%arg0: i32, %arg1: i32, %arg2: memref<8xi32, #tpu.memory_space<smem>>) -> (i32, i32) {
    %c0_i32 = arith.constant 0 : i32
    %c0_i32_0 = arith.constant 0 : i32
    %c0_i32_1 = arith.constant 0 : i32
    return %c0_i32, %c0_i32_0 : i32, i32
  }
  func.func @transform_1(%arg0: i32, %arg1: i32, %arg2: memref<8xi32, #tpu.memory_space<smem>>) -> (i32, i32, i32) {
    %c0_i32 = arith.constant 0 : i32
    %c0_i32_0 = arith.constant 0 : i32
    %c0_i32_1 = arith.constant 0 : i32
    return %arg0, %c0_i32, %c0_i32_0 : i32, i32, i32
  }
  func.func @transform_2(%arg0: i32, %arg1: i32, %arg2: memref<8xi32, #tpu.memory_space<smem>>) -> (i32, i32, i32) {
    %c0_i32 = arith.constant 0 : i32
    %c0_i32_0 = arith.constant 0 : i32
    %c0_i32_1 = arith.constant 0 : i32
    return %arg0, %c0_i32, %c0_i32_0 : i32, i32, i32
  }
  func.func @transform_3(%arg0: i32, %arg1: i32, %arg2: memref<8xi32, #tpu.memory_space<smem>>) -> (i32, i32, i32) {
    %c0_i32 = arith.constant 0 : i32
    %c0_i32_0 = arith.constant 0 : i32
    return %arg0, %c0_i32, %arg1 : i32, i32, i32
  }
  func.func @transform_4(%arg0: i32, %arg1: i32, %arg2: memref<8xi32, #tpu.memory_space<smem>>) -> (i32, i32, i32) {
    %c0_i32 = arith.constant 0 : i32
    %c0_i32_0 = arith.constant 0 : i32
    return %arg0, %c0_i32, %arg1 : i32, i32, i32
  }
  func.func @transform_5(%arg0: i32, %arg1: i32, %arg2: memref<8xi32, #tpu.memory_space<smem>>) -> (i32, i32, i32) {
    %c0_i32 = arith.constant 0 : i32
    %c0_i32_0 = arith.constant 0 : i32
    return %arg0, %c0_i32, %arg1 : i32, i32, i32
  }
  func.func @transform_6(%arg0: i32, %arg1: i32, %arg2: memref<8xi32, #tpu.memory_space<smem>>) -> (i32, i32, i32) {
    %c0_i32 = arith.constant 0 : i32
    %c0_i32_0 = arith.constant 0 : i32
    return %arg0, %c0_i32, %arg1 : i32, i32, i32
  }
  func.func @transform_7(%arg0: i32, %arg1: i32, %arg2: memref<8xi32, #tpu.memory_space<smem>>) -> (i32, i32, i32) {
    %c0_i32 = arith.constant 0 : i32
    %c0_i32_0 = arith.constant 0 : i32
    return %arg0, %arg1, %c0_i32 : i32, i32, i32
  }
  func.func @transform_8(%arg0: i32, %arg1: i32, %arg2: memref<8xi32, #tpu.memory_space<smem>>) -> (i32, i32, i32) {
    %c0_i32 = arith.constant 0 : i32
    %c0_i32_0 = arith.constant 0 : i32
    %c0_i32_1 = arith.constant 0 : i32
    return %arg0, %c0_i32, %c0_i32_0 : i32, i32, i32
  }
  func.func @transform_9(%arg0: i32, %arg1: i32, %arg2: memref<8xi32, #tpu.memory_space<smem>>) -> (i32, i32) {
    %c0_i32 = arith.constant 0 : i32
    %c0_i32_0 = arith.constant 0 : i32
    %c0_i32_1 = arith.constant 0 : i32
    return %c0_i32, %c0_i32_0 : i32, i32
  }
}

module attributes {stable_mosaic.version = 14 : i64} {
  func.func @_router_kernel(%arg0: memref<256x2048xf32, #tpu.memory_space<vmem>>, %arg1: memref<8x2048xf32, #tpu.memory_space<vmem>>, %arg2: memref<1x8xf32, #tpu.memory_space<vmem>>, %arg3: memref<256x1xi32, #tpu.memory_space<vmem>>, %arg4: memref<256x1xf32, #tpu.memory_space<vmem>>, %arg5: memref<256x1xf32, #tpu.memory_space<vmem>>) attributes {dimension_semantics = [], scalar_prefetch = 0 : i64, scratch_operands = 0 : i64, tpu.core_type = #tpu.core_type<tc>} {
    %get3A = arith.constant 0 : index
    %get3A_0 = arith.constant 0 : index
    %get3A_1 = vector.load %arg0[%get3A, %get3A_0] : memref<256x2048xf32, #tpu.memory_space<vmem>>, vector<256x2048xf32>
    %convert_element_type3A = arith.truncf %get3A_1 : vector<256x2048xf32> to vector<256x2048xbf16>
    %get3A_2 = arith.constant 0 : index
    %get3A_3 = arith.constant 0 : index
    %get3A_4 = vector.load %arg1[%get3A_2, %get3A_3] : memref<8x2048xf32, #tpu.memory_space<vmem>>, vector<8x2048xf32>
    %convert_element_type3A_5 = arith.truncf %get3A_4 : vector<8x2048xf32> to vector<8x2048xbf16>
    %dot_general3A = arith.constant dense<0.000000e+00> : vector<256x8xf32>
    %dot_general3A_6 = tpu.matmul %convert_element_type3A, %convert_element_type3A_5, %dot_general3A {dimension_numbers = #tpu.dot_dimension_numbers<[1], [1], [0], [0], [0, 0, 1, 0], [], []>, transpose_lhs_hint = false} : vector<256x2048xbf16>, vector<8x2048xbf16>, vector<256x8xf32> -> vector<256x8xf32>
    %get3A_7 = arith.constant 0 : index
    %get3A_8 = arith.constant 0 : index
    %get3A_9 = vector.load %arg2[%get3A_7, %get3A_8] : memref<1x8xf32, #tpu.memory_space<vmem>>, vector<1x8xf32>
    %add3A = vector.broadcast %get3A_9 : vector<1x8xf32> to vector<256x8xf32>
    %add3A_10 = arith.addf %dot_general3A_6, %add3A : vector<256x8xf32>
    %iota3A = tpu.iota {dimensions = array<i32: 1>} : vector<256x8xi32>
    %reduce_max3A = arith.constant dense<0xFF800000> : vector<256xf32>
    %reduce_max3A_11 = vector.multi_reduction <maximumf>, %add3A_10, %reduce_max3A [1] : vector<256x8xf32> to vector<256xf32>
    %broadcast_in_dim3A = vector.shape_cast %reduce_max3A_11 : vector<256xf32> to vector<256x1xf32>
    %eq3A = vector.broadcast %broadcast_in_dim3A : vector<256x1xf32> to vector<256x8xf32>
    %eq3A_12 = arith.cmpf oeq, %add3A_10, %eq3A : vector<256x8xf32>
    %jit3A = arith.constant 8 : i32
    %broadcast_in_dim3A_13 = vector.broadcast %jit3A : i32 to vector<256x8xi32>
    %select_n3A = arith.select %eq3A_12, %iota3A, %broadcast_in_dim3A_13 : vector<256x8xi1>, vector<256x8xi32>
    %reduce_min3A = arith.constant dense<2147483647> : vector<256xi32>
    %reduce_min3A_14 = vector.multi_reduction <minsi>, %select_n3A, %reduce_min3A [1] : vector<256x8xi32> to vector<256xi32>
    %broadcast_in_dim3A_15 = vector.shape_cast %reduce_min3A_14 : vector<256xi32> to vector<256x1xi32>
    %eq3A_16 = vector.broadcast %broadcast_in_dim3A_15 : vector<256x1xi32> to vector<256x8xi32>
    %eq3A_17 = arith.cmpi eq, %iota3A, %eq3A_16 : vector<256x8xi32>
    %jit3A_18 = arith.constant 0xFF800000 : f32
    %broadcast_in_dim3A_19 = vector.broadcast %jit3A_18 : f32 to vector<256x8xf32>
    %select_n3A_20 = arith.select %eq3A_17, %broadcast_in_dim3A_19, %add3A_10 : vector<256x8xi1>, vector<256x8xf32>
    %reduce_max3A_21 = arith.constant dense<0xFF800000> : vector<256xf32>
    %reduce_max3A_22 = vector.multi_reduction <maximumf>, %select_n3A_20, %reduce_max3A_21 [1] : vector<256x8xf32> to vector<256xf32>
    %broadcast_in_dim3A_23 = vector.shape_cast %reduce_max3A_22 : vector<256xf32> to vector<256x1xf32>
    %eq3A_24 = vector.broadcast %broadcast_in_dim3A_23 : vector<256x1xf32> to vector<256x8xf32>
    %eq3A_25 = arith.cmpf oeq, %select_n3A_20, %eq3A_24 : vector<256x8xf32>
    %jit3A_26 = arith.constant 8 : i32
    %broadcast_in_dim3A_27 = vector.broadcast %jit3A_26 : i32 to vector<256x8xi32>
    %select_n3A_28 = arith.select %eq3A_25, %iota3A, %broadcast_in_dim3A_27 : vector<256x8xi1>, vector<256x8xi32>
    %reduce_min3A_29 = arith.constant dense<2147483647> : vector<256xi32>
    %reduce_min3A_30 = vector.multi_reduction <minsi>, %select_n3A_28, %reduce_min3A_29 [1] : vector<256x8xi32> to vector<256xi32>
    %broadcast_in_dim3A_31 = vector.shape_cast %reduce_min3A_30 : vector<256xi32> to vector<256x1xi32>
    %sub3A = arith.subf %broadcast_in_dim3A_23, %broadcast_in_dim3A : vector<256x1xf32>
    %exp3A = math.exp %sub3A : vector<256x1xf32>
    %add3A_32 = arith.constant 1.000000e+00 : f32
    %add3A_33 = vector.broadcast %add3A_32 : f32 to vector<256x1xf32>
    %add3A_34 = arith.addf %add3A_33, %exp3A : vector<256x1xf32>
    %div3A = arith.constant 1.000000e+00 : f32
    %div3A_35 = vector.broadcast %div3A : f32 to vector<256x1xf32>
    %div3A_36 = arith.divf %div3A_35, %add3A_34 : vector<256x1xf32>
    %div3A_37 = arith.divf %exp3A, %add3A_34 : vector<256x1xf32>
    %mul3A = arith.constant 8 : i32
    %mul3A_38 = vector.broadcast %mul3A : i32 to vector<256x1xi32>
    %mul3A_39 = arith.muli %broadcast_in_dim3A_15, %mul3A_38 : vector<256x1xi32>
    %add3A_40 = arith.addi %mul3A_39, %broadcast_in_dim3A_31 : vector<256x1xi32>
    %swap3A = arith.constant 0 : index
    %swap3A_41 = arith.constant 0 : index
    %swap3A_42 = vector.load %arg3[%swap3A, %swap3A_41] : memref<256x1xi32, #tpu.memory_space<vmem>>, vector<256x1xi32>
    tpu.vector_store %arg3[%swap3A, %swap3A_41], %add3A_40 {strides = array<i32>} : memref<256x1xi32, #tpu.memory_space<vmem>>, vector<256x1xi32>,
    %swap3A_43 = arith.constant 0 : index
    %swap3A_44 = arith.constant 0 : index
    %swap3A_45 = vector.load %arg4[%swap3A_43, %swap3A_44] : memref<256x1xf32, #tpu.memory_space<vmem>>, vector<256x1xf32>
    tpu.vector_store %arg4[%swap3A_43, %swap3A_44], %div3A_36 {strides = array<i32>} : memref<256x1xf32, #tpu.memory_space<vmem>>, vector<256x1xf32>,
    %swap3A_46 = arith.constant 0 : index
    %swap3A_47 = arith.constant 0 : index
    %swap3A_48 = vector.load %arg5[%swap3A_46, %swap3A_47] : memref<256x1xf32, #tpu.memory_space<vmem>>, vector<256x1xf32>
    tpu.vector_store %arg5[%swap3A_46, %swap3A_47], %div3A_37 {strides = array<i32>} : memref<256x1xf32, #tpu.memory_space<vmem>>, vector<256x1xf32>,
    return
  }
}

</mosaic_0001>

<sc_bundles>
// kernel: kernel.5.cloned.1.call-start
scs
__scs_entry_jumppad:
0x0: {  	(pc) =	sbr.rel $0x88, $3  }
0x1: {  	(tag) =	ssettag $0x0;
	lr =	simm.s32 $0x1  }
0x2: {  	[smem:$0x3F98] =	sst lr;
	_ =	strace $0xD0000000  }
0x3: {  	_ = 	snop  }
0x4: {  	_ = 	snop  }
0x5: {  	_ = 	snop  }
0x6: {  	_ = 	snop  }
0x7: {  	_ = 	snop  }
__scs_overlays_trampoline_lowered:
0x8: {  	[smem:$0x3FA7] =	sst s0  }
0x9: {  	[smem:$0x3FA8] =	sst s1  }
0xa: {  	[smem:$0x3FA9] =	sst s2  }
0xb: {  	[smem:$0x3FAA] =	sst s3  }
0xc: {  	[smem:$0x3FAB] =	sst s4  }
0xd: {  	[smem:$0x3FAC] =	sst s5  }
0xe: {  	[smem:$0x3FAD] =	sst s6  }
0xf: {  	[smem:$0x3FAE] =	sst s7  }
0x10: {  	[smem:$0x3FAF] =	sst s8  }
0x11: {  	[smem:$0x3FB0] =	sst s9;
	s0 =	simm.s32 @!p0 $0x0  }
0x12: {  	s1 =	sld [smem:$0x3F96];
	s0 =	simm.s32 @p0 $0x1  }
0x13: {  	[smem:$0x3FB1] =	sst s0;
	s0 =	simm.s32 @!p1 $0x0  }
0x14: {  	s2 =	sld [smem:$0x3F95];
	s0 =	simm.s32 @p1 $0x1  }
0x15: {  	[smem:$0x3FB2] =	sst s0;
	s0 =	simm.s32 @!p2 $0x0  }
0x16: {  	s3 =	sld [smem:$0x3FDB];
	s0 =	simm.s32 @p2 $0x1  }
0x17: {  	s4 =	simm.s32 $0x1BF5;
	[smem:$0x3FB4] =	sst s0  }
0x18: {  	s0 =	sld [smem:$0x3F97];
	_ =	swait.ge [sflag:s4], $0x0  }
0x19: {  	s7 =	sld [smem:$0x3F98]  }
0x1a: {  	s8 =	sadd.s32 $0xFFFFE003, lr  }
0x1b: {  	s9 =	sadd.s32 $0xFFFFFEF7, lr;
	s5 =	simm.s32 $0xFFFFFFFF;
	p2 =	slt.u32 s8, $0xFFFFF086  }
0x1c: {  	p1 =	slt.u32 s9, $0xF7A;
	s5 =	simm.s32 @!p2 $0x0  }
0x1d: {  	s5 =	simm.s32 @p1 $0x1;
	p0 =	seq.s32 s7, s2  }
0x1e: {  	s7 =	smul.u32 @!p0 $0xF7A, s2;
	p2 =	seq.s32 @!p0 s5, $0x0  }
0x1f: {  	s9 =	smul.u32 $0xF7A, s1;
	s8 =	simm.s32 @!p0 $0x1BF5;
	p2 =	por !p2, p0  }
0x20: {  	[sflag:s8] =	ssyncset.s32 @!p0 $0xFFFFF086;
	s6 =	sadd.s32 @!p0 s3, s7;
	s7 =	simm.s32 @!p0 $0x108  }
0x21: {  	s3 =	sadd.s32 s3, s9;
	s6 =	sadd.s32 @!p0 $0x88, s6;
	s7 =	simm.s32 @p2 $0x1082  }
0x22: {  	[simem:s7], [sflag:s8] =	dma.local @!p0 [hbm:s6], $0xF7A  }
0x23: {  	s9 =	sor.u32 $0xD0000000, s2;
	s6 =	simm.s32 $0x108;
	_ =	swait.ge @!p0 [sflag:s8], $0x0  }
0x24: {  	s3 =	sadd.s32 $0x88, s3;
	s6 =	simm.s32 @!p1 $0x1082;
	[sflag:s4] =	ssyncset.s32 $0xFFFFF086  }
0x25: {  	[simem:s6], [sflag:s4] =	dma.local [hbm:s3], $0xF7A  }
0x26: {  	[smem:$0x3F98] =	sst s1;
	(tag) =	ssettag s2;
	_ =	strace s9  }
0x27: {  	s1 =	sld [smem:$0x3FA8]  }
0x28: {  	s2 =	sld [smem:$0x3FA9]  }
0x29: {  	s4 =	sld [smem:$0x3FAB]  }
0x2a: {  	p0 =	seq.s32 s5, $0x0;
	s5 =	sld [smem:$0x3FAC]  }
0x2b: {  	s6 =	sld [smem:$0x3FAD]  }
0x2c: {  	s7 =	sld [smem:$0x3FAE]  }
0x2d: {  	s3 =	simm.s32 $0x108;
	s8 =	sld [smem:$0x3FAF]  }
0x2e: {  	s3 =	simm.s32 @!p0 $0x1082;
	s9 =	sld [smem:$0x3FB0]  }
0x2f: {  	lr =	sadd.s32 s0, s3;
	s0 =	sld [smem:$0x3FA7]  }
0x30: {  	s3 =	sld [smem:$0x3FAA]  }
0x31: {  	[smem:$0x3FB3] =	sst s10  }
0x32: {  	s10 =	sld [smem:$0x3FB1];
	_ =	sdelay $0x3  }
0x33: {  	p0 =	seq.s32 s10, $0x1;
	s10 =	sld [smem:$0x3FB3];
	_ =	sdelay $0x3  }
0x34: {  	[smem:$0x3FB3] =	sst s10  }
0x35: {  	s10 =	sld [smem:$0x3FB2];
	_ =	sdelay $0x3  }
0x36: {  	p1 =	seq.s32 s10, $0x1;
	s10 =	sld [smem:$0x3FB3];
	_ =	sdelay $0x3  }
0x37: {  	[smem:$0x3FB3] =	sst s10  }
0x38: {  	s10 =	sld [smem:$0x3FB4]  }
0x39: {  	_ = 	snop;
	(pc) =	sbr.ind lr, $3  }
0x3a: {  	_ = 	snop  }
0x3b: {  	_ = 	snop  }
0x3c: {  	p2 =	seq.s32 s10, $0x1;
	s10 =	sld [smem:$0x3FB3]  }
0x3d: {  	_ =	shalt  }
0x3e: {  	_ =	shalt  }
0x3f: {  	_ =	shalt  }
0x40: {  	_ =	shalt  }
0x41: {  	_ =	shalt  }
0x42: {  	_ =	shalt  }
0x43: {  	_ =	shalt  }
0x44: {  	_ =	shalt  }
0x45: {  	_ =	shalt  }
0x46: {  	_ =	shalt  }
0x47: {  	_ =	shalt  }
0x48: {  	_ =	shalt  }
0x49: {  	_ =	shalt  }
0x4a: {  	_ =	shalt  }
0x4b: {  	_ =	shalt  }
0x4c: {  	_ =	shalt  }
0x4d: {  	_ =	shalt  }
0x4e: {  	_ =	shalt  }
0x4f: {  	_ =	shalt  }
0x50: {  	_ =	shalt  }
0x51: {  	_ =	shalt  }
0x52: {  	_ =	shalt  }
0x53: {  	_ =	shalt  }
0x54: {  	_ =	shalt  }
0x55: {  	_ =	shalt  }
0x56: {  	_ =	shalt  }
0x57: {  	_ =	shalt  }
0x58: {  	_ =	shalt  }
0x59: {  	_ =	shalt  }
0x5a: {  	_ =	shalt  }
0x5b: {  	_ =	shalt  }
0x5c: {  	_ =	shalt  }
0x5d: {  	_ =	shalt  }
0x5e: {  	_ =	shalt  }
0x5f: {  	_ =	shalt  }
0x60: {  	_ =	shalt  }
0x61: {  	_ =	shalt  }
0x62: {  	_ =	shalt  }
0x63: {  	_ =	shalt  }
0x64: {  	_ =	shalt  }
0x65: {  	_ =	shalt  }
0x66: {  	_ =	shalt  }
0x67: {  	_ =	shalt  }
0x68: {  	_ =	shalt  }
0x69: {  	_ =	shalt  }
0x6a: {  	_ =	shalt  }
0x6b: {  	_ =	shalt  }
0x6c: {  	_ =	shalt  }
0x6d: {  	_ =	shalt  }
0x6e: {  	_ =	shalt  }
0x6f: {  	_ =	shalt  }
0x70: {  	_ =	shalt  }
0x71: {  	_ =	shalt  }
0x72: {  	_ =	shalt  }
0x73: {  	_ =	shalt  }
0x74: {  	_ =	shalt  }
0x75: {  	_ =	shalt  }
0x76: {  	_ =	shalt  }
0x77: {  	_ =	shalt  }
0x78: {  	_ =	shalt  }
0x79: {  	_ =	shalt  }
0x7a: {  	_ =	shalt  }
0x7b: {  	_ =	shalt  }
0x7c: {  	_ =	shalt  }
0x7d: {  	_ =	shalt  }
0x7e: {  	_ =	shalt  }
0x7f: {  	_ =	shalt  }
0x80: {  	_ =	shalt  }
0x81: {  	_ =	shalt  }
0x82: {  	_ =	shalt  }
0x83: {  	_ =	shalt  }
0x84: {  	_ =	shalt  }
0x85: {  	_ =	shalt  }
0x86: {  	_ =	shalt  }
0x87: {  	_ =	shalt  }
.Lfunc_end0:
.L_simem_size_0:
called_computation_lowered:
.L_overlay_start_0:
0x88: {  	s2 =	sld [smem:$0x3FD9]  }
0x89: {  	s3 =	sld [smem:$0x3FFE];
	_ =	sdelay $0x1  }
0x8a: {  	s1 =	srdreg.scid  }
0x8b: {  	s0 =	sand.u32 $0x1, s1  }
0x8c: {  	s23 =	sshll.u32 s0, $0xA;
	s2 =	sadd.s32 s3, s2  }
0x8d: {  	s2 =	sadd.s32 s2, s23  }
0x8e: {  	s3 =	simm.s32 $0x0;
	[smem:$0x3FBF] =	sst s2  }
0x8f: {  	[smem:$0xF] =	sst s3  }
0x90: {  	s2 =	sld [smem:$0x3FD0];
	(tm) =	ssettm $0x1  }
0x91: {  	s4 =	sld [smem:$0x3FFB];
	_ =	sdelay $0x3  }
0x92: {  	_ =	strace s4  }
0x93: {  	s4 =	sld [smem:$0x3FFC];
	_ =	sdelay $0x3  }
0x94: {  	_ =	strace s4  }
0x95: {  	s4 =	sld [smem:$0x3FFD];
	_ =	sdelay $0x3  }
0x96: {  	_ =	strace s4  }
0x97: {  	s24 =	simm.s32 $0x1B8B;
	_ =	strace $0x8FFFFFFF  }
0x98: {  	_ =	swait.ge [sflag:s24], $0x1  }
0x99: {  	s6 =	sld [smem:$0x3FFE]  }
0x9a: {  	[sflag:s24] =	ssyncset.done $0x0  }
0x9b: {  	s25 =	simm.s32 $0x1B8E;
	[sflag:s24] =	ssyncadd.s32 $0xFFFFFFFF  }
0x9c: {  	s7 =	simm.s32 $0x10;
	s28 =	simm.s32 $0x110;
	[smem:$0x3FD2] =	sst s25  }
0x9d: {  	s4 =	simm.s32 $0x9;
	_ =	strace $0x80000046;
	s5 =	sadd.s32 $0xA00, s6  }
0x9e: {  	[smem:s7], [sflag:s4] =	dma.local [hbm:s5], $0x20  }
0x9f: {  	s26 =	sadd.s32 $0x600, s6;
	s29 =	sadd.s32 $0x800, s6;
	s7 =	simm.s32 $0x210  }
0xa0: {  	[smem:s28], [sflag:s4] =	dma.local [hbm:s26], $0x20  }
0xa1: {  	[smem:s7], [sflag:s4] =	dma.local [hbm:s29], $0x20  }
0xa2: {  	_ =	swait.ge [sflag:s4], $0x20  }
0xa3: {  	[sflag:s4] =	ssyncset.done $0x0  }
0xa4: {  	[sflag:s4] =	ssyncadd.s32 $0xFFFFFFE0;
	_ =	sdelay $0x2  }
0xa5: {  	_ =	swait.ge [sflag:s4], $0x20  }
0xa6: {  	[sflag:s4] =	ssyncset.done $0x0  }
0xa7: {  	[sflag:s4] =	ssyncadd.s32 $0xFFFFFFE0;
	_ =	sdelay $0x2  }
0xa8: {  	_ =	swait.ge [sflag:s4], $0x20  }
0xa9: {  	[sflag:s4] =	ssyncset.done $0x0  }
0xaa: {  	[sflag:s4] =	ssyncadd.s32 $0xFFFFFFE0  }
0xab: {  	[smem:$0xB90] =	sst s3  }
0xac: {  	[smem:$0xB91] =	sst s3  }
0xad: {  	[smem:$0xB92] =	sst s3  }
0xae: {  	[smem:$0xB93] =	sst s3  }
0xaf: {  	s30 =	sld [smem:$0x10];
	_ =	sdelay $0x3  }
0xb0: {  	s8 =	sand.u32 $0x7, s30  }
0xb1: {  	s9 =	sshra.s32 s30, $0x1F;
	p0 =	slt.s32 s30, $0x1;
	p1 =	sne.s32 s8, $0x0  }
0xb2: {  	s31 =	sshrl.u32 s9, $0x1D;
	p0 =	por !p0, !p1  }
0xb3: {  	s9 =	simm.s32 $0x1;
	s8 =	sadd.s32 s31, s30;
	p0 =	por !p0, !p0  }
0xb4: {  	s10 =	sshra.s32 s8, $0x3;
	s9 =	simm.s32 @!p0 $0x0  }
0xb5: {  	s8 =	sshll.u32 s0, $0x2;
	s9 =	ssub.s32 s10, s9  }
0xb6: {  	s10 =	ssub.s32 s9, s8  }
0xb7: {  	p0 =	sgt.u32 s10, $0x3  }
0xb8: {  	s11 =	sld @!p0 [smem:s10+$0xB90];
	_ =	sdelay $0x2  }
0xb9: {  	s12 =	sshll.u32 @!p0 s10, $0x8  }
0xba: {  	s12 =	sadd.s32 @!p0 s12, s11  }
0xbb: {  	[smem:s12+$0x310] =	sst @!p0 s3  }
0xbc: {  	s14 =	sld @!p0 [smem:$0x110];
	_ =	sdelay $0x1  }
0xbd: {  	s9 =	sshll.u32 s9, $0x3  }
0xbe: {  	s9 =	sor.u32 s9, s8;
	s12 =	sadd.s32 @!p0 $0x710, s12  }
0xbf: {  	s13 =	ssub.s32 s30, s9;
	s11 =	sadd.s32 @!p0 $0x1, s11;
	[smem:s12] =	sst @!p0 s14  }
0xc0: {  	p1 =	sgt.u32 s13, $0x3;
	[smem:s10+$0xB90] =	sst @!p0 s11  }
0xc1: {  	s11 =	sld @!p1 [smem:s13+$0xB90];
	_ =	sdelay $0x2  }
0xc2: {  	s5 =	sshll.u32 @!p1 s13, $0x8  }
0xc3: {  	s10 =	sadd.s32 @!p1 s5, s11  }
0xc4: {  	[smem:s10+$0x310] =	sst @!p1 s3  }
0xc5: {  	s12 =	sld @!p1 [smem:$0x210];
	_ =	sdelay $0x1  }
0xc6: {  	s9 =	simm.s32 $0x1;
	s5 =	sadd.s32 $0xC00, s6  }
0xc7: {  	s6 =	sadd.s32 $0xE00, s6;
	s14 =	sadd.s32 @!p1 $0x710, s10;
	s10 =	simm.s32 $0x11  }
0xc8: {  	[smem:s14] =	sst @!p1 s12;
	s12 =	sadd.s32 @!p1 $0x1, s11;
	s11 =	simm.s32 $0x111  }
.LBB1_1:
0xc9: {  	[smem:s13+$0xB90] =	sst @!p1 s12  }
0xca: {  	s7 =	sadd.s32 $0x1, s7;
	s12 =	smov.u32 s9;
	s9 =	sadd.s32 $0x1, s9  }
0xcb: {  	s13 =	sld [smem:s10+$0x0];
	p0 =	sne.s32 s9, $0x100;
	_ =	sdelay $0x3  }
0xcc: {  	s14 =	sshra.s32 s13, $0x1F;
	s15 =	sand.u32 $0x7, s13  }
0xcd: {  	p1 =	slt.s32 s13, $0x1;
	s14 =	sshrl.u32 s14, $0x1D;
	p2 =	sne.s32 s15, $0x0  }
0xce: {  	s14 =	sadd.s32 s14, s13;
	p1 =	por !p1, !p2  }
0xcf: {  	s15 =	simm.s32 $0x1;
	p1 =	por !p1, !p1  }
0xd0: {  	s14 =	sshra.s32 s14, $0x3;
	s15 =	simm.s32 @!p1 $0x0  }
0xd1: {  	s14 =	ssub.s32 s14, s15  }
0xd2: {  	s15 =	ssub.s32 s14, s8;
	s14 =	sshll.u32 s14, $0x3  }
0xd3: {  	s14 =	sor.u32 s14, s8;
	p1 =	sgt.u32 s15, $0x3  }
0xd4: {  	s16 =	sld @!p1 [smem:s15+$0xB90];
	s17 =	sshll.u32 @!p1 s15, $0x8;
	_ =	sdelay $0x3  }
0xd5: {  	s17 =	sadd.s32 @!p1 s17, s16;
	s16 =	sadd.s32 @!p1 $0x1, s16  }
0xd6: {  	[smem:s17+$0x310] =	sst @!p1 s12;
	s17 =	sadd.s32 @!p1 $0x710, s17  }
0xd7: {  	s18 =	sld @!p1 [smem:s11+$0x0];
	_ =	sdelay $0x3  }
0xd8: {  	s13 =	ssub.s32 s13, s14;
	[smem:s17] =	sst @!p1 s18  }
0xd9: {  	[smem:s15+$0xB90] =	sst @!p1 s16;
	p1 =	sgt.u32 s13, $0x3  }
0xda: {  	s14 =	sld @!p1 [smem:s13+$0xB90];
	s15 =	sshll.u32 @!p1 s13, $0x8;
	_ =	sdelay $0x3  }
0xdb: {  	s15 =	sadd.s32 @!p1 s15, s14  }
0xdc: {  	[smem:s15+$0x310] =	sst @!p1 s12  }
0xdd: {  	s12 =	sld @!p1 [smem:s7+$0x0]  }
.Ltmp0:
0xde: {  	(pc) =	sbr.rel @p0 .LBB1_1-.Ltmp0, $3  }
0xdf: {  	_ = 	snop  }
0xe0: {  	s10 =	sadd.s32 $0x1, s10;
	s15 =	sadd.s32 @!p1 $0x710, s15  }
0xe1: {  	s11 =	sadd.s32 $0x1, s11;
	[smem:s15] =	sst @!p1 s12;
	s12 =	sadd.s32 @!p1 $0x1, s14  }
0xe2: {  	[smem:s13+$0xB90] =	sst @!p1 s12;
	s7 =	simm.s32 $0x710  }
.LBB1_3:
0xe3: {  	s8 =	sld [smem:s3+$0xB90];
	_ =	sdelay $0x3  }
0xe4: {  	s9 =	sadd.s32 $0x7F, s8  }
0xe5: {  	s10 =	sand.u32 $0x7F, s9  }
0xe6: {  	s11 =	sshra.s32 s9, $0x1F;
	p0 =	slt.s32 s9, $0x1;
	p1 =	sne.s32 s10, $0x0  }
0xe7: {  	s30 =	sshrl.u32 s11, $0x19;
	p0 =	por !p0, !p1  }
0xe8: {  	s10 =	simm.s32 $0x1;
	s9 =	sadd.s32 s30, s9;
	p0 =	por !p0, !p0  }
0xe9: {  	s9 =	sshrl.u32 s9, $0x7;
	s10 =	simm.s32 @!p0 $0x0  }
0xea: {  	s31 =	sshll.u32 s8, $0x2;
	s9 =	ssub.s32 s9, s10  }
0xeb: {  	s10 =	sshra.s32 s31, $0x2;
	s9 =	sshll.u32 s9, $0x7  }
0xec: {  	[smem:s3+$0xB10] =	sst s8;
	s10 =	sadd.s32 s10, s7;
	p0 =	sge.s32 s8, s9  }
0xed: {  	s11 =	simm.s32 $0x4;
	s12 =	sadd.s32 @!p0 $0x0, s10;
	s13 =	simm.s32 @!p0 $0x0  }
.LBB1_4:
0xee: {  	[smem:s12] =	sst @!p0 s13;
	s12 =	smov.u32 s11;
	s11 =	sadd.s32 $0x4, s11  }
0xef: {  	s8 =	sadd.s32 $0x1, s8;
	p1 =	sne.s32 s11, $0x200  }
.Ltmp1:
0xf0: {  	(pc) =	sbr.rel @p1 .LBB1_4-.Ltmp1, $3  }
0xf1: {  	p0 =	sge.s32 s8, s9  }
0xf2: {  	s12 =	sshra.s32 @!p0 s12, $0x2  }
0xf3: {  	s13 =	simm.s32 @!p0 $0x0;
	s12 =	sadd.s32 @!p0 s12, s10  }
0xf4: {  	s3 =	sadd.s32 $0x1, s3  }
0xf5: {  	p1 =	sne.s32 s3, $0x4  }
0xf6: {  	s7 =	sadd.s32 $0x100, s7;
	s3 =	sshll.u32 @!p1 s0, $0x7  }
0xf7: {  	[smem:s12] =	sst @!p0 s13;
	s7 =	simm.s32 @!p1 $0x310;
	s2 =	sadd.s32 @!p1 s3, s2  }
0xf8: {  	[hbm:s2], [sflag:s4] =	dma.local @!p1 [smem:s7], $0x80  }
0xf9: {  	s2 =	sadd.s32 @!p1 s3, s6;
	s3 =	simm.s32 @!p1 $0x710  }
0xfa: {  	[hbm:s2], [sflag:s4] =	dma.local @!p1 [smem:s3], $0x80  }
0xfb: {  	s2 =	sshll.u32 @!p1 s0, $0x4  }
0xfc: {  	s3 =	simm.s32 @!p1 $0xB10;
	s2 =	sadd.s32 @!p1 s2, s5  }
0xfd: {  	[hbm:s2], [sflag:s4] =	dma.local @!p1 [smem:s3], $0x10  }
0xfe: {  	s2 =	simm.s32 @!p1 $0x9  }
0xff: {  	_ =	swait.ge @!p1 [sflag:s2], $0x80  }
0x100: {  	[sflag:s2] =	ssyncset.done @!p1 $0x0  }
0x101: {  	[sflag:s2] =	ssyncadd.s32 @!p1 $0xFFFFFF80;
	_ =	sdelay $0x2  }
0x102: {  	_ =	swait.ge @!p1 [sflag:s2], $0x80  }
0x103: {  	[sflag:s2] =	ssyncset.done @!p1 $0x0  }
0x104: {  	[sflag:s2] =	ssyncadd.s32 @!p1 $0xFFFFFF80;
	_ =	sdelay $0x2  }
0x105: {  	_ =	swait.ge @!p1 [sflag:s2], $0x10  }
0x106: {  	[sflag:s2] =	ssyncset.done @!p1 $0x0  }
0x107: {  	[sflag:s2] =	ssyncadd.s32 @!p1 $0xFFFFFFF0  }
0x108: {  	_ =	strace @!p1 $0x90000046  }
0x109: {  	_ =	sfence @!p1  }
0x10a: {  	s2 =	sld @!p1 [smem:$0x0];
	_ =	sdelay $0x2  }
0x10b: {  	s3 =	sshll.u32 @!p1 s1, $0xD;
	s1 =	sshrl.u32 @!p1 s1, $0x2  }
0x10c: {  	s3 =	sand.u32 @!p1 $0x4000, s3;
	s1 =	sadd.s32 @!p1 s1, s2  }
0x10d: {  	s0 =	sor.u32 @!p1 s3, s0;
	s1 =	sshll.u32 @!p1 s1, $0x11  }
0x10e: {  	s0 =	sor.u32 @!p1 s1, s0  }
0x10f: {  	s0 =	sadd.s32 @!p1 $0x8F2B, s0;
	(pc) =	sbr.abs @!p1 _section_cstart, $3  }
0x110: {  	[sflag:s0] =	ssyncadd.remote.s32 @!p1 $0x1  }
0x111: {  	_ =	strace @!p1 $0x9FFFFFFF  }
0x112: {  	(tm) =	ssettm @!p1 $0x7FFFFFFF  }
.Ltmp2:
0x113: {  	_ = 	snop;
	(pc) =	sbr.rel .LBB1_3-.Ltmp2, $1  }
0x114: {  	_ =	sdelay $0x2  }
0x115: {  	_ =	shalt  }

</sc_bundles>
